<compile_context>
chip_gen: v7x
topology: tpu7x:2x2x1
jax: 0.10.2.dev20260603
libtpu: 0.0.44.dev20260713+nightly
codegen_flags: <defaults>
</compile_context>

<pallas_src>
import functools

import jax
import jax.numpy as jnp
from jax import lax
from jax.experimental import pallas as pl
from jax.experimental.pallas import tpu as pltpu
from jax.experimental.pallas import tpu_sc as plsc

F = 26
B = 16384
V = 100000
D = 16

NC = 2
NS = 16
NW = NC * NS
NT = F * D
TPW = NT // NW
BC = 4096
NCB = B // BC
L = 16


def _body(idx_hbm, tab_hbm, out_hbm, row_v, idx_f, out2,
          rsem, osem0, osem1):
    c = lax.axis_index("c")
    s = lax.axis_index("s")
    wid = s * NC + c
    t0 = wid * TPW
    osems = (osem0, osem1)

    def task(k, carry):
        t = t0 + k
        f = lax.shift_right_logical(t, 4)
        d = lax.bitwise_and(t, D - 1)
        rcp = pltpu.async_copy(tab_hbm.at[f, d], row_v, rsem)

        @pl.when(k > 0)
        def _drain_prev():
            for pb in range(2):
                pltpu.make_async_copy(
                    out2.at[pb], out_hbm.at[0, pl.ds(pb * BC, BC)], osems[pb]
                ).wait()

        @pl.when(jnp.logical_or(k == 0, d == 0))
        def _stage_indices():
            pltpu.sync_copy(idx_hbm.at[f], idx_f)

        rcp.wait()
        ocps = [None, None]
        for cb in range(NCB):
            pb = cb & 1
            if ocps[pb] is not None:
                ocps[pb].wait()

            @plsc.parallel_loop(0, BC, L, unroll=16)
            def gat(i):
                out2[pb, pl.ds(i, L)] = plsc.load_gather(
                    row_v, [idx_f[pl.ds(cb * BC + i, L)]]
                )

            ocps[pb] = pltpu.async_copy(
                out2.at[pb], out_hbm.at[t, pl.ds(cb * BC, BC)], osems[pb]
            )
        return carry

    lax.fori_loop(0, TPW, task, 0)
    for pb in range(2):
        pltpu.make_async_copy(
            out2.at[pb], out_hbm.at[0, pl.ds(pb * BC, BC)], osems[pb]
        ).wait()


def kernel(indices, tables):
    tab_t = jnp.transpose(tables, (0, 2, 1))
    mesh = plsc.VectorSubcoreMesh(core_axis_name="c", subcore_axis_name="s")
    run = functools.partial(
        pl.kernel,
        out_type=jax.ShapeDtypeStruct((NT, B), jnp.float32),
        mesh=mesh,
        compiler_params=pltpu.CompilerParams(needs_layout_passes=False),
        scratch_types=[
            pltpu.VMEM((V,), jnp.float32),
            pltpu.VMEM((B,), jnp.int32),
            pltpu.VMEM((2, BC), jnp.float32),
            pltpu.SemaphoreType.DMA,
            pltpu.SemaphoreType.DMA,
            pltpu.SemaphoreType.DMA,
        ],
    )(_body)
    out_t = run(indices, tab_t)
    return jnp.transpose(out_t, (1, 0)).reshape(B, F * D)

# --- scband reference (transcript-rebuilt; emitter-appended) ---
"""Pipeline reference for scband-multi-embedding-73272142070046 (READ-ONLY COPY).

The authoritative reference and input builder live on the scoring server;
editing this copy changes nothing except your own understanding.
"""

import jax, jax.numpy as jnp
import numpy as np

F = 26      # number of sparse fields (embedding tables)
B = 16384   # batch size
V = 100000  # vocab per table
D = 16      # embed dim per table


def setup_inputs(seed: int = 0) -> dict:
    key = jax.random.key(seed)
    k1, k2 = jax.random.split(key)
    # forward arg: one index tensor per field, packed as [F, B]
    indices = jax.random.randint(k1, (F, B), 0, V, dtype=jnp.int32)
    # learned parameters: F embedding tables of shape [V, D], packed as [F, V, D]
    tables = jax.random.normal(k2, (F, V, D), dtype=jnp.float32) * 0.05
    return {"indices": indices, "tables": tables}


def reference(indices, tables):
    # MultiEmbedding.call: embed each field with its own table, then
    # concatenate embeddings along the last axis.
    # per-field gather: tables[f][indices[f]] -> [B, D]
    gathered = jax.vmap(lambda tbl, idx: jnp.take(tbl, idx, axis=0))(tables, indices)  # [F, B, D]
    # concatenate fields along last axis -> [B, F*D]
    out = jnp.transpose(gathered, (1, 0, 2)).reshape(B, F * D)
    return out

if __name__ == "__main__":
    import jax
    _d = setup_inputs()
    print(jax.jit(kernel)(*tuple(_d.values())))

</pallas_src>

<mosaic_0001>
#map = affine_map<(d0, d1) -> (0, 0)>
#map1 = affine_map<(d0, d1) -> (0, 0, 0)>
module attributes {stable_mosaic.version = 14 : i64} {
  func.func @_body(%arg0: i32, %arg1: i32, %arg2: memref<26x16384xi32, #tpu.memory_space<hbm>>, %arg3: memref<26x16x100000xf32, #tpu.memory_space<hbm>>, %arg4: memref<416x16384xf32, #tpu.memory_space<hbm>>, %arg5: memref<100000xf32, #tpu.memory_space<vmem>>, %arg6: memref<16384xi32, #tpu.memory_space<vmem>>, %arg7: memref<2x4096xf32, #tpu.memory_space<vmem>>, %arg8: memref<!tpu.dma_semaphore, #tpu.memory_space<semaphore_mem>>, %arg9: memref<!tpu.dma_semaphore, #tpu.memory_space<semaphore_mem>>, %arg10: memref<!tpu.dma_semaphore, #tpu.memory_space<semaphore_mem>>) attributes {dimension_semantics = [#tpu.dimension_semantics<core_parallel>, #tpu.dimension_semantics<subcore_parallel>], iteration_bounds = array<i64: 2, 16>, scalar_prefetch = 0 : i64, scratch_operands = 6 : i64, tpu.core_type = #tpu.core_type<sc_vector_subcore>, window_params = [{transform_indices = #map}, {transform_indices = #map1}, {transform_indices = #map}]} {
    %mul3A = arith.constant 2 : i32
    %mul3A_0 = arith.muli %arg1, %mul3A : i32
    %add3A = arith.addi %mul3A_0, %arg0 : i32
    %mul3A_1 = arith.constant 13 : i32
    %mul3A_2 = arith.muli %add3A, %mul3A_1 : i32
    %scan3A = arith.constant 0 : i32
    %scan3A_3 = arith.constant 0 : i32
    %scan3A_4 = arith.constant 13 : i32
    %scan3A_5 = arith.addi %scan3A_3, %scan3A_4 : i32
    %scan3A_6 = arith.constant 1 : i32
    scf.for %scan3A_35 = %scan3A_3 to %scan3A_5 step %scan3A_6  : i32 {
      %add3A_36 = arith.addi %mul3A_2, %scan3A_35 : i32
      %shift_right_logical3A = arith.constant 4 : i32
      %shift_right_logical3A_37 = arith.shrui %add3A_36, %shift_right_logical3A : i32
      %and3A = arith.constant 15 : i32
      %and3A_38 = arith.andi %add3A_36, %and3A : i32
      %dma_start3A = arith.constant 0 : i32
      %dma_start3A_39 = tpu.memref_slice %arg3[%shift_right_logical3A_37, %and3A_38, %dma_start3A] : memref<26x16x100000xf32, #tpu.memory_space<hbm>> -> memref<1x1x100000xf32, #tpu.memory_space<hbm>>
      %dma_start3A_40 = tpu.memref_squeeze %dma_start3A_39 : memref<1x1x100000xf32, #tpu.memory_space<hbm>> -> memref<100000xf32, #tpu.memory_space<hbm>>
      %dma_start3A_41 = arith.constant 0 : i32
      %dma_start3A_42 = tpu.memref_slice %arg3[%shift_right_logical3A_37, %and3A_38, %dma_start3A_41] : memref<26x16x100000xf32, #tpu.memory_space<hbm>> -> memref<1x1x100000xf32, #tpu.memory_space<hbm>>
      %dma_start3A_43 = tpu.memref_squeeze %dma_start3A_42 : memref<1x1x100000xf32, #tpu.memory_space<hbm>> -> memref<100000xf32, #tpu.memory_space<hbm>>
      tpu.enqueue_dma source(%dma_start3A_43 : memref<100000xf32, #tpu.memory_space<hbm>>) target(%arg5 : memref<100000xf32, #tpu.memory_space<vmem>>) target_semaphore(%arg8 : memref<!tpu.dma_semaphore, #tpu.memory_space<semaphore_mem>>)
      %gt3A = arith.constant 0 : i32
      %gt3A_44 = arith.cmpi sgt, %scan3A_35, %gt3A : i32
      %convert_element_type3A = arith.extui %gt3A_44 : i1 to i32
      %cond3A = arith.constant 0 : i32
      %cond3A_45 = arith.cmpi ne, %convert_element_type3A, %cond3A : i32
      scf.if %cond3A_45 {
        %dma_wait3A_147 = arith.constant 0 : i32
        %dma_wait3A_148 = arith.constant 0 : i32
        %dma_wait3A_149 = arith.constant 0 : i32
        %dma_wait3A_150 = tpu.memref_slice %arg7[%dma_wait3A_147, %dma_wait3A_149] : memref<2x4096xf32, #tpu.memory_space<vmem>> -> memref<1x4096xf32, #tpu.memory_space<vmem>>
        %dma_wait3A_151 = tpu.memref_squeeze %dma_wait3A_150 : memref<1x4096xf32, #tpu.memory_space<vmem>> -> memref<4096xf32, #tpu.memory_space<vmem>>
        %dma_wait3A_152 = arith.constant 0 : i32
        %dma_wait3A_153 = tpu.memref_slice %arg4[%dma_wait3A_148, %dma_wait3A_152] : memref<416x16384xf32, #tpu.memory_space<hbm>> -> memref<1x4096xf32, #tpu.memory_space<hbm>>
        %dma_wait3A_154 = tpu.memref_squeeze %dma_wait3A_153 : memref<1x4096xf32, #tpu.memory_space<hbm>> -> memref<4096xf32, #tpu.memory_space<hbm>>
        %dma_wait3A_155 = arith.constant 0 : i32
        %dma_wait3A_156 = tpu.memref_slice %arg4[%dma_wait3A_148, %dma_wait3A_155] : memref<416x16384xf32, #tpu.memory_space<hbm>> -> memref<1x4096xf32, #tpu.memory_space<hbm>>
        %dma_wait3A_157 = tpu.memref_squeeze %dma_wait3A_156 : memref<1x4096xf32, #tpu.memory_space<hbm>> -> memref<4096xf32, #tpu.memory_space<hbm>>
        %dma_wait3A_158 = arith.constant 0 : i32
        %dma_wait3A_159 = tpu.memref_slice %arg7[%dma_wait3A_147, %dma_wait3A_158] : memref<2x4096xf32, #tpu.memory_space<vmem>> -> memref<1x4096xf32, #tpu.memory_space<vmem>>
        %dma_wait3A_160 = tpu.memref_squeeze %dma_wait3A_159 : memref<1x4096xf32, #tpu.memory_space<vmem>> -> memref<4096xf32, #tpu.memory_space<vmem>>
        tpu.wait_dma2 semaphore(%arg9 : memref<!tpu.dma_semaphore, #tpu.memory_space<semaphore_mem>>) src(%dma_wait3A_160 : memref<4096xf32, #tpu.memory_space<vmem>>) dst(%dma_wait3A_157 : memref<4096xf32, #tpu.memory_space<hbm>>)
        %dma_wait3A_161 = arith.constant 1 : i32
        %dma_wait3A_162 = arith.constant 0 : i32
        %dma_wait3A_163 = arith.constant 0 : i32
        %dma_wait3A_164 = tpu.memref_slice %arg7[%dma_wait3A_161, %dma_wait3A_163] : memref<2x4096xf32, #tpu.memory_space<vmem>> -> memref<1x4096xf32, #tpu.memory_space<vmem>>
        %dma_wait3A_165 = tpu.memref_squeeze %dma_wait3A_164 : memref<1x4096xf32, #tpu.memory_space<vmem>> -> memref<4096xf32, #tpu.memory_space<vmem>>
        %dma_wait3A_166 = arith.constant 4096 : i32
        %dma_wait3A_167 = tpu.memref_slice %arg4[%dma_wait3A_162, %dma_wait3A_166] : memref<416x16384xf32, #tpu.memory_space<hbm>> -> memref<1x4096xf32, #tpu.memory_space<hbm>>
        %dma_wait3A_168 = tpu.memref_squeeze %dma_wait3A_167 : memref<1x4096xf32, #tpu.memory_space<hbm>> -> memref<4096xf32, #tpu.memory_space<hbm>>
        %dma_wait3A_169 = arith.constant 4096 : i32
        %dma_wait3A_170 = tpu.memref_slice %arg4[%dma_wait3A_162, %dma_wait3A_169] : memref<416x16384xf32, #tpu.memory_space<hbm>> -> memref<1x4096xf32, #tpu.memory_space<hbm>>
        %dma_wait3A_171 = tpu.memref_squeeze %dma_wait3A_170 : memref<1x4096xf32, #tpu.memory_space<hbm>> -> memref<4096xf32, #tpu.memory_space<hbm>>
        %dma_wait3A_172 = arith.constant 0 : i32
        %dma_wait3A_173 = tpu.memref_slice %arg7[%dma_wait3A_161, %dma_wait3A_172] : memref<2x4096xf32, #tpu.memory_space<vmem>> -> memref<1x4096xf32, #tpu.memory_space<vmem>>
        %dma_wait3A_174 = tpu.memref_squeeze %dma_wait3A_173 : memref<1x4096xf32, #tpu.memory_space<vmem>> -> memref<4096xf32, #tpu.memory_space<vmem>>
        tpu.wait_dma2 semaphore(%arg10 : memref<!tpu.dma_semaphore, #tpu.memory_space<semaphore_mem>>) src(%dma_wait3A_174 : memref<4096xf32, #tpu.memory_space<vmem>>) dst(%dma_wait3A_171 : memref<4096xf32, #tpu.memory_space<hbm>>)
      } else {
      }
      %eq3A = arith.constant 0 : i32
      %eq3A_46 = arith.cmpi eq, %scan3A_35, %eq3A : i32
      %eq3A_47 = arith.constant 0 : i32
      %eq3A_48 = arith.cmpi eq, %and3A_38, %eq3A_47 : i32
      %or3A = arith.ori %eq3A_46, %eq3A_48 : i1
      %convert_element_type3A_49 = arith.extui %or3A : i1 to i32
      %cond3A_50 = arith.constant 0 : i32
      %cond3A_51 = arith.cmpi ne, %convert_element_type3A_49, %cond3A_50 : i32
      scf.if %cond3A_51 {
        "tpu.region"() ({
          %run_scoped3A = tpu.sem_alloc : memref<!tpu.dma_semaphore, #tpu.memory_space<semaphore_mem>>
          %dma_start3A_147 = arith.constant 0 : i32
          %dma_start3A_148 = tpu.memref_slice %arg2[%shift_right_logical3A_37, %dma_start3A_147] : memref<26x16384xi32, #tpu.memory_space<hbm>> -> memref<1x16384xi32, #tpu.memory_space<hbm>>
          %dma_start3A_149 = tpu.memref_squeeze %dma_start3A_148 : memref<1x16384xi32, #tpu.memory_space<hbm>> -> memref<16384xi32, #tpu.memory_space<hbm>>
          %dma_start3A_150 = arith.constant 0 : i32
          %dma_start3A_151 = tpu.memref_slice %arg2[%shift_right_logical3A_37, %dma_start3A_150] : memref<26x16384xi32, #tpu.memory_space<hbm>> -> memref<1x16384xi32, #tpu.memory_space<hbm>>
          %dma_start3A_152 = tpu.memref_squeeze %dma_start3A_151 : memref<1x16384xi32, #tpu.memory_space<hbm>> -> memref<16384xi32, #tpu.memory_space<hbm>>
          tpu.enqueue_dma source(%dma_start3A_152 : memref<16384xi32, #tpu.memory_space<hbm>>) target(%arg6 : memref<16384xi32, #tpu.memory_space<vmem>>) target_semaphore(%run_scoped3A : memref<!tpu.dma_semaphore, #tpu.memory_space<semaphore_mem>>)
          %dma_wait3A_153 = arith.constant 0 : i32
          %dma_wait3A_154 = tpu.memref_slice %arg2[%shift_right_logical3A_37, %dma_wait3A_153] : memref<26x16384xi32, #tpu.memory_space<hbm>> -> memref<1x16384xi32, #tpu.memory_space<hbm>>
          %dma_wait3A_155 = tpu.memref_squeeze %dma_wait3A_154 : memref<1x16384xi32, #tpu.memory_space<hbm>> -> memref<16384xi32, #tpu.memory_space<hbm>>
          %dma_wait3A_156 = arith.constant 0 : i32
          %dma_wait3A_157 = tpu.memref_slice %arg2[%shift_right_logical3A_37, %dma_wait3A_156] : memref<26x16384xi32, #tpu.memory_space<hbm>> -> memref<1x16384xi32, #tpu.memory_space<hbm>>
          %dma_wait3A_158 = tpu.memref_squeeze %dma_wait3A_157 : memref<1x16384xi32, #tpu.memory_space<hbm>> -> memref<16384xi32, #tpu.memory_space<hbm>>
          tpu.wait_dma2 semaphore(%run_scoped3A : memref<!tpu.dma_semaphore, #tpu.memory_space<semaphore_mem>>) src(%dma_wait3A_158 : memref<16384xi32, #tpu.memory_space<hbm>>) dst(%arg6 : memref<16384xi32, #tpu.memory_space<vmem>>)
          tpu.yield
        }) : () -> ()
      } else {
      }
      %dma_wait3A_52 = arith.constant 0 : i32
      %dma_wait3A_53 = tpu.memref_slice %arg3[%shift_right_logical3A_37, %and3A_38, %dma_wait3A_52] : memref<26x16x100000xf32, #tpu.memory_space<hbm>> -> memref<1x1x100000xf32, #tpu.memory_space<hbm>>
      %dma_wait3A_54 = tpu.memref_squeeze %dma_wait3A_53 : memref<1x1x100000xf32, #tpu.memory_space<hbm>> -> memref<100000xf32, #tpu.memory_space<hbm>>
      %dma_wait3A_55 = arith.constant 0 : i32
      %dma_wait3A_56 = tpu.memref_slice %arg3[%shift_right_logical3A_37, %and3A_38, %dma_wait3A_55] : memref<26x16x100000xf32, #tpu.memory_space<hbm>> -> memref<1x1x100000xf32, #tpu.memory_space<hbm>>
      %dma_wait3A_57 = tpu.memref_squeeze %dma_wait3A_56 : memref<1x1x100000xf32, #tpu.memory_space<hbm>> -> memref<100000xf32, #tpu.memory_space<hbm>>
      tpu.wait_dma2 semaphore(%arg8 : memref<!tpu.dma_semaphore, #tpu.memory_space<semaphore_mem>>) src(%dma_wait3A_57 : memref<100000xf32, #tpu.memory_space<hbm>>) dst(%arg5 : memref<100000xf32, #tpu.memory_space<vmem>>)
      %parallel_loop3A = arith.constant 0 : i32
      %parallel_loop3A_58 = arith.constant 4096 : i32
      %parallel_loop3A_59 = arith.constant 16 : i32
      scf.for %parallel_loop3A_147 = %parallel_loop3A to %parallel_loop3A_58 step %parallel_loop3A_59  : i32 {
        %parallel_loop3A_148 = arith.constant 0 : i32
        %parallel_loop3A_149 = arith.addi %parallel_loop3A_148, %parallel_loop3A_147 : i32
        %parallel_loop3A_150 = arith.index_cast %parallel_loop3A_149 : i32 to index
        %parallel_loop3A_151 = tpu.vector_load %arg6[%parallel_loop3A_150] {strides = array<i32>} : memref<16384xi32, #tpu.memory_space<vmem>>, vector<16xi32>,
        %parallel_loop3A_152 = tpu.vector_load_idx %arg5[%parallel_loop3A_151] : memref<100000xf32, #tpu.memory_space<vmem>>[vector<16xi32>], vector<16xf32>,
        %parallel_loop3A_153 = arith.constant 0 : i32
        %parallel_loop3A_154 = arith.index_cast %parallel_loop3A_153 : i32 to index
        %parallel_loop3A_155 = arith.index_cast %parallel_loop3A_147 : i32 to index
        %parallel_loop3A_156 = tpu.vector_load %arg7[%parallel_loop3A_154, %parallel_loop3A_155] {strides = array<i32>} : memref<2x4096xf32, #tpu.memory_space<vmem>>, vector<16xf32>,
        tpu.vector_store %arg7[%parallel_loop3A_154, %parallel_loop3A_155], %parallel_loop3A_152 {strides = array<i32>} : memref<2x4096xf32, #tpu.memory_space<vmem>>, vector<16xf32>,
      } {sc.loop_unroll_factor = 16 : i64, sc.parallel_access}
      %dma_start3A_60 = arith.constant 0 : i32
      %dma_start3A_61 = arith.constant 0 : i32
      %dma_start3A_62 = tpu.memref_slice %arg7[%dma_start3A_60, %dma_start3A_61] : memref<2x4096xf32, #tpu.memory_space<vmem>> -> memref<1x4096xf32, #tpu.memory_space<vmem>>
      %dma_start3A_63 = tpu.memref_squeeze %dma_start3A_62 : memref<1x4096xf32, #tpu.memory_space<vmem>> -> memref<4096xf32, #tpu.memory_space<vmem>>
      %dma_start3A_64 = arith.constant 0 : i32
      %dma_start3A_65 = tpu.memref_slice %arg4[%add3A_36, %dma_start3A_64] : memref<416x16384xf32, #tpu.memory_space<hbm>> -> memref<1x4096xf32, #tpu.memory_space<hbm>>
      %dma_start3A_66 = tpu.memref_squeeze %dma_start3A_65 : memref<1x4096xf32, #tpu.memory_space<hbm>> -> memref<4096xf32, #tpu.memory_space<hbm>>
      %dma_start3A_67 = arith.constant 0 : i32
      %dma_start3A_68 = tpu.memref_slice %arg4[%add3A_36, %dma_start3A_67] : memref<416x16384xf32, #tpu.memory_space<hbm>> -> memref<1x4096xf32, #tpu.memory_space<hbm>>
      %dma_start3A_69 = tpu.memref_squeeze %dma_start3A_68 : memref<1x4096xf32, #tpu.memory_space<hbm>> -> memref<4096xf32, #tpu.memory_space<hbm>>
      %dma_start3A_70 = arith.constant 0 : i32
      %dma_start3A_71 = tpu.memref_slice %arg7[%dma_start3A_60, %dma_start3A_70] : memref<2x4096xf32, #tpu.memory_space<vmem>> -> memref<1x4096xf32, #tpu.memory_space<vmem>>
      %dma_start3A_72 = tpu.memref_squeeze %dma_start3A_71 : memref<1x4096xf32, #tpu.memory_space<vmem>> -> memref<4096xf32, #tpu.memory_space<vmem>>
      tpu.enqueue_dma source(%dma_start3A_72 : memref<4096xf32, #tpu.memory_space<vmem>>) target(%dma_start3A_69 : memref<4096xf32, #tpu.memory_space<hbm>>) target_semaphore(%arg9 : memref<!tpu.dma_semaphore, #tpu.memory_space<semaphore_mem>>)
      %parallel_loop3A_73 = arith.constant 0 : i32
      %parallel_loop3A_74 = arith.constant 4096 : i32
      %parallel_loop3A_75 = arith.constant 16 : i32
      scf.for %parallel_loop3A_147 = %parallel_loop3A_73 to %parallel_loop3A_74 step %parallel_loop3A_75  : i32 {
        %parallel_loop3A_148 = arith.constant 4096 : i32
        %parallel_loop3A_149 = arith.addi %parallel_loop3A_148, %parallel_loop3A_147 : i32
        %parallel_loop3A_150 = arith.index_cast %parallel_loop3A_149 : i32 to index
        %parallel_loop3A_151 = tpu.vector_load %arg6[%parallel_loop3A_150] {strides = array<i32>} : memref<16384xi32, #tpu.memory_space<vmem>>, vector<16xi32>,
        %parallel_loop3A_152 = tpu.vector_load_idx %arg5[%parallel_loop3A_151] : memref<100000xf32, #tpu.memory_space<vmem>>[vector<16xi32>], vector<16xf32>,
        %parallel_loop3A_153 = arith.constant 1 : i32
        %parallel_loop3A_154 = arith.index_cast %parallel_loop3A_153 : i32 to index
        %parallel_loop3A_155 = arith.index_cast %parallel_loop3A_147 : i32 to index
        %parallel_loop3A_156 = tpu.vector_load %arg7[%parallel_loop3A_154, %parallel_loop3A_155] {strides = array<i32>} : memref<2x4096xf32, #tpu.memory_space<vmem>>, vector<16xf32>,
        tpu.vector_store %arg7[%parallel_loop3A_154, %parallel_loop3A_155], %parallel_loop3A_152 {strides = array<i32>} : memref<2x4096xf32, #tpu.memory_space<vmem>>, vector<16xf32>,
      } {sc.loop_unroll_factor = 16 : i64, sc.parallel_access}
      %dma_start3A_76 = arith.constant 1 : i32
      %dma_start3A_77 = arith.constant 0 : i32
      %dma_start3A_78 = tpu.memref_slice %arg7[%dma_start3A_76, %dma_start3A_77] : memref<2x4096xf32, #tpu.memory_space<vmem>> -> memref<1x4096xf32, #tpu.memory_space<vmem>>
      %dma_start3A_79 = tpu.memref_squeeze %dma_start3A_78 : memref<1x4096xf32, #tpu.memory_space<vmem>> -> memref<4096xf32, #tpu.memory_space<vmem>>
      %dma_start3A_80 = arith.constant 4096 : i32
      %dma_start3A_81 = tpu.memref_slice %arg4[%add3A_36, %dma_start3A_80] : memref<416x16384xf32, #tpu.memory_space<hbm>> -> memref<1x4096xf32, #tpu.memory_space<hbm>>
      %dma_start3A_82 = tpu.memref_squeeze %dma_start3A_81 : memref<1x4096xf32, #tpu.memory_space<hbm>> -> memref<4096xf32, #tpu.memory_space<hbm>>
      %dma_start3A_83 = arith.constant 4096 : i32
      %dma_start3A_84 = tpu.memref_slice %arg4[%add3A_36, %dma_start3A_83] : memref<416x16384xf32, #tpu.memory_space<hbm>> -> memref<1x4096xf32, #tpu.memory_space<hbm>>
      %dma_start3A_85 = tpu.memref_squeeze %dma_start3A_84 : memref<1x4096xf32, #tpu.memory_space<hbm>> -> memref<4096xf32, #tpu.memory_space<hbm>>
      %dma_start3A_86 = arith.constant 0 : i32
      %dma_start3A_87 = tpu.memref_slice %arg7[%dma_start3A_76, %dma_start3A_86] : memref<2x4096xf32, #tpu.memory_space<vmem>> -> memref<1x4096xf32, #tpu.memory_space<vmem>>
      %dma_start3A_88 = tpu.memref_squeeze %dma_start3A_87 : memref<1x4096xf32, #tpu.memory_space<vmem>> -> memref<4096xf32, #tpu.memory_space<vmem>>
      tpu.enqueue_dma source(%dma_start3A_88 : memref<4096xf32, #tpu.memory_space<vmem>>) target(%dma_start3A_85 : memref<4096xf32, #tpu.memory_space<hbm>>) target_semaphore(%arg10 : memref<!tpu.dma_semaphore, #tpu.memory_space<semaphore_mem>>)
      %dma_wait3A_89 = arith.constant 0 : i32
      %dma_wait3A_90 = arith.constant 0 : i32
      %dma_wait3A_91 = tpu.memref_slice %arg7[%dma_wait3A_89, %dma_wait3A_90] : memref<2x4096xf32, #tpu.memory_space<vmem>> -> memref<1x4096xf32, #tpu.memory_space<vmem>>
      %dma_wait3A_92 = tpu.memref_squeeze %dma_wait3A_91 : memref<1x4096xf32, #tpu.memory_space<vmem>> -> memref<4096xf32, #tpu.memory_space<vmem>>
      %dma_wait3A_93 = arith.constant 0 : i32
      %dma_wait3A_94 = tpu.memref_slice %arg4[%add3A_36, %dma_wait3A_93] : memref<416x16384xf32, #tpu.memory_space<hbm>> -> memref<1x4096xf32, #tpu.memory_space<hbm>>
      %dma_wait3A_95 = tpu.memref_squeeze %dma_wait3A_94 : memref<1x4096xf32, #tpu.memory_space<hbm>> -> memref<4096xf32, #tpu.memory_space<hbm>>
      %dma_wait3A_96 = arith.constant 0 : i32
      %dma_wait3A_97 = tpu.memref_slice %arg4[%add3A_36, %dma_wait3A_96] : memref<416x16384xf32, #tpu.memory_space<hbm>> -> memref<1x4096xf32, #tpu.memory_space<hbm>>
      %dma_wait3A_98 = tpu.memref_squeeze %dma_wait3A_97 : memref<1x4096xf32, #tpu.memory_space<hbm>> -> memref<4096xf32, #tpu.memory_space<hbm>>
      %dma_wait3A_99 = arith.constant 0 : i32
      %dma_wait3A_100 = tpu.memref_slice %arg7[%dma_wait3A_89, %dma_wait3A_99] : memref<2x4096xf32, #tpu.memory_space<vmem>> -> memref<1x4096xf32, #tpu.memory_space<vmem>>
      %dma_wait3A_101 = tpu.memref_squeeze %dma_wait3A_100 : memref<1x4096xf32, #tpu.memory_space<vmem>> -> memref<4096xf32, #tpu.memory_space<vmem>>
      tpu.wait_dma2 semaphore(%arg9 : memref<!tpu.dma_semaphore, #tpu.memory_space<semaphore_mem>>) src(%dma_wait3A_101 : memref<4096xf32, #tpu.memory_space<vmem>>) dst(%dma_wait3A_98 : memref<4096xf32, #tpu.memory_space<hbm>>)
      %parallel_loop3A_102 = arith.constant 0 : i32
      %parallel_loop3A_103 = arith.constant 4096 : i32
      %parallel_loop3A_104 = arith.constant 16 : i32
      scf.for %parallel_loop3A_147 = %parallel_loop3A_102 to %parallel_loop3A_103 step %parallel_loop3A_104  : i32 {
        %parallel_loop3A_148 = arith.constant 8192 : i32
        %parallel_loop3A_149 = arith.addi %parallel_loop3A_148, %parallel_loop3A_147 : i32
        %parallel_loop3A_150 = arith.index_cast %parallel_loop3A_149 : i32 to index
        %parallel_loop3A_151 = tpu.vector_load %arg6[%parallel_loop3A_150] {strides = array<i32>} : memref<16384xi32, #tpu.memory_space<vmem>>, vector<16xi32>,
        %parallel_loop3A_152 = tpu.vector_load_idx %arg5[%parallel_loop3A_151] : memref<100000xf32, #tpu.memory_space<vmem>>[vector<16xi32>], vector<16xf32>,
        %parallel_loop3A_153 = arith.constant 0 : i32
        %parallel_loop3A_154 = arith.index_cast %parallel_loop3A_153 : i32 to index
        %parallel_loop3A_155 = arith.index_cast %parallel_loop3A_147 : i32 to index
        %parallel_loop3A_156 = tpu.vector_load %arg7[%parallel_loop3A_154, %parallel_loop3A_155] {strides = array<i32>} : memref<2x4096xf32, #tpu.memory_space<vmem>>, vector<16xf32>,
        tpu.vector_store %arg7[%parallel_loop3A_154, %parallel_loop3A_155], %parallel_loop3A_152 {strides = array<i32>} : memref<2x4096xf32, #tpu.memory_space<vmem>>, vector<16xf32>,
      } {sc.loop_unroll_factor = 16 : i64, sc.parallel_access}
      %dma_start3A_105 = arith.constant 0 : i32
      %dma_start3A_106 = arith.constant 0 : i32
      %dma_start3A_107 = tpu.memref_slice %arg7[%dma_start3A_105, %dma_start3A_106] : memref<2x4096xf32, #tpu.memory_space<vmem>> -> memref<1x4096xf32, #tpu.memory_space<vmem>>
      %dma_start3A_108 = tpu.memref_squeeze %dma_start3A_107 : memref<1x4096xf32, #tpu.memory_space<vmem>> -> memref<4096xf32, #tpu.memory_space<vmem>>
      %dma_start3A_109 = arith.constant 8192 : i32
      %dma_start3A_110 = tpu.memref_slice %arg4[%add3A_36, %dma_start3A_109] : memref<416x16384xf32, #tpu.memory_space<hbm>> -> memref<1x4096xf32, #tpu.memory_space<hbm>>
      %dma_start3A_111 = tpu.memref_squeeze %dma_start3A_110 : memref<1x4096xf32, #tpu.memory_space<hbm>> -> memref<4096xf32, #tpu.memory_space<hbm>>
      %dma_start3A_112 = arith.constant 8192 : i32
      %dma_start3A_113 = tpu.memref_slice %arg4[%add3A_36, %dma_start3A_112] : memref<416x16384xf32, #tpu.memory_space<hbm>> -> memref<1x4096xf32, #tpu.memory_space<hbm>>
      %dma_start3A_114 = tpu.memref_squeeze %dma_start3A_113 : memref<1x4096xf32, #tpu.memory_space<hbm>> -> memref<4096xf32, #tpu.memory_space<hbm>>
      %dma_start3A_115 = arith.constant 0 : i32
      %dma_start3A_116 = tpu.memref_slice %arg7[%dma_start3A_105, %dma_start3A_115] : memref<2x4096xf32, #tpu.memory_space<vmem>> -> memref<1x4096xf32, #tpu.memory_space<vmem>>
      %dma_start3A_117 = tpu.memref_squeeze %dma_start3A_116 : memref<1x4096xf32, #tpu.memory_space<vmem>> -> memref<4096xf32, #tpu.memory_space<vmem>>
      tpu.enqueue_dma source(%dma_start3A_117 : memref<4096xf32, #tpu.memory_space<vmem>>) target(%dma_start3A_114 : memref<4096xf32, #tpu.memory_space<hbm>>) target_semaphore(%arg9 : memref<!tpu.dma_semaphore, #tpu.memory_space<semaphore_mem>>)
      %dma_wait3A_118 = arith.constant 1 : i32
      %dma_wait3A_119 = arith.constant 0 : i32
      %dma_wait3A_120 = tpu.memref_slice %arg7[%dma_wait3A_118, %dma_wait3A_119] : memref<2x4096xf32, #tpu.memory_space<vmem>> -> memref<1x4096xf32, #tpu.memory_space<vmem>>
      %dma_wait3A_121 = tpu.memref_squeeze %dma_wait3A_120 : memref<1x4096xf32, #tpu.memory_space<vmem>> -> memref<4096xf32, #tpu.memory_space<vmem>>
      %dma_wait3A_122 = arith.constant 4096 : i32
      %dma_wait3A_123 = tpu.memref_slice %arg4[%add3A_36, %dma_wait3A_122] : memref<416x16384xf32, #tpu.memory_space<hbm>> -> memref<1x4096xf32, #tpu.memory_space<hbm>>
      %dma_wait3A_124 = tpu.memref_squeeze %dma_wait3A_123 : memref<1x4096xf32, #tpu.memory_space<hbm>> -> memref<4096xf32, #tpu.memory_space<hbm>>
      %dma_wait3A_125 = arith.constant 4096 : i32
      %dma_wait3A_126 = tpu.memref_slice %arg4[%add3A_36, %dma_wait3A_125] : memref<416x16384xf32, #tpu.memory_space<hbm>> -> memref<1x4096xf32, #tpu.memory_space<hbm>>
      %dma_wait3A_127 = tpu.memref_squeeze %dma_wait3A_126 : memref<1x4096xf32, #tpu.memory_space<hbm>> -> memref<4096xf32, #tpu.memory_space<hbm>>
      %dma_wait3A_128 = arith.constant 0 : i32
      %dma_wait3A_129 = tpu.memref_slice %arg7[%dma_wait3A_118, %dma_wait3A_128] : memref<2x4096xf32, #tpu.memory_space<vmem>> -> memref<1x4096xf32, #tpu.memory_space<vmem>>
      %dma_wait3A_130 = tpu.memref_squeeze %dma_wait3A_129 : memref<1x4096xf32, #tpu.memory_space<vmem>> -> memref<4096xf32, #tpu.memory_space<vmem>>
      tpu.wait_dma2 semaphore(%arg10 : memref<!tpu.dma_semaphore, #tpu.memory_space<semaphore_mem>>) src(%dma_wait3A_130 : memref<4096xf32, #tpu.memory_space<vmem>>) dst(%dma_wait3A_127 : memref<4096xf32, #tpu.memory_space<hbm>>)
      %parallel_loop3A_131 = arith.constant 0 : i32
      %parallel_loop3A_132 = arith.constant 4096 : i32
      %parallel_loop3A_133 = arith.constant 16 : i32
      scf.for %parallel_loop3A_147 = %parallel_loop3A_131 to %parallel_loop3A_132 step %parallel_loop3A_133  : i32 {
        %parallel_loop3A_148 = arith.constant 12288 : i32
        %parallel_loop3A_149 = arith.addi %parallel_loop3A_148, %parallel_loop3A_147 : i32
        %parallel_loop3A_150 = arith.index_cast %parallel_loop3A_149 : i32 to index
        %parallel_loop3A_151 = tpu.vector_load %arg6[%parallel_loop3A_150] {strides = array<i32>} : memref<16384xi32, #tpu.memory_space<vmem>>, vector<16xi32>,
        %parallel_loop3A_152 = tpu.vector_load_idx %arg5[%parallel_loop3A_151] : memref<100000xf32, #tpu.memory_space<vmem>>[vector<16xi32>], vector<16xf32>,
        %parallel_loop3A_153 = arith.constant 1 : i32
        %parallel_loop3A_154 = arith.index_cast %parallel_loop3A_153 : i32 to index
        %parallel_loop3A_155 = arith.index_cast %parallel_loop3A_147 : i32 to index
        %parallel_loop3A_156 = tpu.vector_load %arg7[%parallel_loop3A_154, %parallel_loop3A_155] {strides = array<i32>} : memref<2x4096xf32, #tpu.memory_space<vmem>>, vector<16xf32>,
        tpu.vector_store %arg7[%parallel_loop3A_154, %parallel_loop3A_155], %parallel_loop3A_152 {strides = array<i32>} : memref<2x4096xf32, #tpu.memory_space<vmem>>, vector<16xf32>,
      } {sc.loop_unroll_factor = 16 : i64, sc.parallel_access}
      %dma_start3A_134 = arith.constant 1 : i32
      %dma_start3A_135 = arith.constant 0 : i32
      %dma_start3A_136 = tpu.memref_slice %arg7[%dma_start3A_134, %dma_start3A_135] : memref<2x4096xf32, #tpu.memory_space<vmem>> -> memref<1x4096xf32, #tpu.memory_space<vmem>>
      %dma_start3A_137 = tpu.memref_squeeze %dma_start3A_136 : memref<1x4096xf32, #tpu.memory_space<vmem>> -> memref<4096xf32, #tpu.memory_space<vmem>>
      %dma_start3A_138 = arith.constant 12288 : i32
      %dma_start3A_139 = tpu.memref_slice %arg4[%add3A_36, %dma_start3A_138] : memref<416x16384xf32, #tpu.memory_space<hbm>> -> memref<1x4096xf32, #tpu.memory_space<hbm>>
      %dma_start3A_140 = tpu.memref_squeeze %dma_start3A_139 : memref<1x4096xf32, #tpu.memory_space<hbm>> -> memref<4096xf32, #tpu.memory_space<hbm>>
      %dma_start3A_141 = arith.constant 12288 : i32
      %dma_start3A_142 = tpu.memref_slice %arg4[%add3A_36, %dma_start3A_141] : memref<416x16384xf32, #tpu.memory_space<hbm>> -> memref<1x4096xf32, #tpu.memory_space<hbm>>
      %dma_start3A_143 = tpu.memref_squeeze %dma_start3A_142 : memref<1x4096xf32, #tpu.memory_space<hbm>> -> memref<4096xf32, #tpu.memory_space<hbm>>
      %dma_start3A_144 = arith.constant 0 : i32
      %dma_start3A_145 = tpu.memref_slice %arg7[%dma_start3A_134, %dma_start3A_144] : memref<2x4096xf32, #tpu.memory_space<vmem>> -> memref<1x4096xf32, #tpu.memory_space<vmem>>
      %dma_start3A_146 = tpu.memref_squeeze %dma_start3A_145 : memref<1x4096xf32, #tpu.memory_space<vmem>> -> memref<4096xf32, #tpu.memory_space<vmem>>
      tpu.enqueue_dma source(%dma_start3A_146 : memref<4096xf32, #tpu.memory_space<vmem>>) target(%dma_start3A_143 : memref<4096xf32, #tpu.memory_space<hbm>>) target_semaphore(%arg10 : memref<!tpu.dma_semaphore, #tpu.memory_space<semaphore_mem>>)
    }
    %scan3A_7 = arith.constant 13 : i32
    %dma_wait3A = arith.constant 0 : i32
    %dma_wait3A_8 = arith.constant 0 : i32
    %dma_wait3A_9 = arith.constant 0 : i32
    %dma_wait3A_10 = tpu.memref_slice %arg7[%dma_wait3A, %dma_wait3A_9] : memref<2x4096xf32, #tpu.memory_space<vmem>> -> memref<1x4096xf32, #tpu.memory_space<vmem>>
    %dma_wait3A_11 = tpu.memref_squeeze %dma_wait3A_10 : memref<1x4096xf32, #tpu.memory_space<vmem>> -> memref<4096xf32, #tpu.memory_space<vmem>>
    %dma_wait3A_12 = arith.constant 0 : i32
    %dma_wait3A_13 = tpu.memref_slice %arg4[%dma_wait3A_8, %dma_wait3A_12] : memref<416x16384xf32, #tpu.memory_space<hbm>> -> memref<1x4096xf32, #tpu.memory_space<hbm>>
    %dma_wait3A_14 = tpu.memref_squeeze %dma_wait3A_13 : memref<1x4096xf32, #tpu.memory_space<hbm>> -> memref<4096xf32, #tpu.memory_space<hbm>>
    %dma_wait3A_15 = arith.constant 0 : i32
    %dma_wait3A_16 = tpu.memref_slice %arg4[%dma_wait3A_8, %dma_wait3A_15] : memref<416x16384xf32, #tpu.memory_space<hbm>> -> memref<1x4096xf32, #tpu.memory_space<hbm>>
    %dma_wait3A_17 = tpu.memref_squeeze %dma_wait3A_16 : memref<1x4096xf32, #tpu.memory_space<hbm>> -> memref<4096xf32, #tpu.memory_space<hbm>>
    %dma_wait3A_18 = arith.constant 0 : i32
    %dma_wait3A_19 = tpu.memref_slice %arg7[%dma_wait3A, %dma_wait3A_18] : memref<2x4096xf32, #tpu.memory_space<vmem>> -> memref<1x4096xf32, #tpu.memory_space<vmem>>
    %dma_wait3A_20 = tpu.memref_squeeze %dma_wait3A_19 : memref<1x4096xf32, #tpu.memory_space<vmem>> -> memref<4096xf32, #tpu.memory_space<vmem>>
    tpu.wait_dma2 semaphore(%arg9 : memref<!tpu.dma_semaphore, #tpu.memory_space<semaphore_mem>>) src(%dma_wait3A_20 : memref<4096xf32, #tpu.memory_space<vmem>>) dst(%dma_wait3A_17 : memref<4096xf32, #tpu.memory_space<hbm>>)
    %dma_wait3A_21 = arith.constant 1 : i32
    %dma_wait3A_22 = arith.constant 0 : i32
    %dma_wait3A_23 = arith.constant 0 : i32
    %dma_wait3A_24 = tpu.memref_slice %arg7[%dma_wait3A_21, %dma_wait3A_23] : memref<2x4096xf32, #tpu.memory_space<vmem>> -> memref<1x4096xf32, #tpu.memory_space<vmem>>
    %dma_wait3A_25 = tpu.memref_squeeze %dma_wait3A_24 : memref<1x4096xf32, #tpu.memory_space<vmem>> -> memref<4096xf32, #tpu.memory_space<vmem>>
    %dma_wait3A_26 = arith.constant 4096 : i32
    %dma_wait3A_27 = tpu.memref_slice %arg4[%dma_wait3A_22, %dma_wait3A_26] : memref<416x16384xf32, #tpu.memory_space<hbm>> -> memref<1x4096xf32, #tpu.memory_space<hbm>>
    %dma_wait3A_28 = tpu.memref_squeeze %dma_wait3A_27 : memref<1x4096xf32, #tpu.memory_space<hbm>> -> memref<4096xf32, #tpu.memory_space<hbm>>
    %dma_wait3A_29 = arith.constant 4096 : i32
    %dma_wait3A_30 = tpu.memref_slice %arg4[%dma_wait3A_22, %dma_wait3A_29] : memref<416x16384xf32, #tpu.memory_space<hbm>> -> memref<1x4096xf32, #tpu.memory_space<hbm>>
    %dma_wait3A_31 = tpu.memref_squeeze %dma_wait3A_30 : memref<1x4096xf32, #tpu.memory_space<hbm>> -> memref<4096xf32, #tpu.memory_space<hbm>>
    %dma_wait3A_32 = arith.constant 0 : i32
    %dma_wait3A_33 = tpu.memref_slice %arg7[%dma_wait3A_21, %dma_wait3A_32] : memref<2x4096xf32, #tpu.memory_space<vmem>> -> memref<1x4096xf32, #tpu.memory_space<vmem>>
    %dma_wait3A_34 = tpu.memref_squeeze %dma_wait3A_33 : memref<1x4096xf32, #tpu.memory_space<vmem>> -> memref<4096xf32, #tpu.memory_space<vmem>>
    tpu.wait_dma2 semaphore(%arg10 : memref<!tpu.dma_semaphore, #tpu.memory_space<semaphore_mem>>) src(%dma_wait3A_34 : memref<4096xf32, #tpu.memory_space<vmem>>) dst(%dma_wait3A_31 : memref<4096xf32, #tpu.memory_space<hbm>>)
    return
  }
}

</mosaic_0001>

<sc_bundles>
// kernel: kernel.3.cloned.1.call-start
scs
__scs_entry_jumppad:
0x0: {  	(pc) =	sbr.rel $0x88, $3  }
0x1: {  	(tag) =	ssettag $0x0;
	lr =	simm.s32 $0x1  }
0x2: {  	[smem:$0x3F9F] =	sst lr;
	_ =	strace $0xD0000000  }
0x3: {  	_ = 	snop  }
0x4: {  	_ = 	snop  }
0x5: {  	_ = 	snop  }
0x6: {  	_ = 	snop  }
0x7: {  	_ = 	snop  }
__scs_overlays_trampoline_lowered:
0x8: {  	[smem:$0x3FAE] =	sst s0  }
0x9: {  	[smem:$0x3FAF] =	sst s1  }
0xa: {  	[smem:$0x3FB0] =	sst s2  }
0xb: {  	[smem:$0x3FB1] =	sst s3  }
0xc: {  	[smem:$0x3FB2] =	sst s4  }
0xd: {  	[smem:$0x3FB3] =	sst s5  }
0xe: {  	[smem:$0x3FB4] =	sst s6  }
0xf: {  	[smem:$0x3FB5] =	sst s7  }
0x10: {  	[smem:$0x3FB6] =	sst s8  }
0x11: {  	[smem:$0x3FB7] =	sst s9;
	s0 =	simm.s32 @!p0 $0x0  }
0x12: {  	s1 =	sld [smem:$0x3F9D];
	s0 =	simm.s32 @p0 $0x1  }
0x13: {  	[smem:$0x3FB8] =	sst s0;
	s0 =	simm.s32 @!p1 $0x0  }
0x14: {  	s2 =	sld [smem:$0x3F9C];
	s0 =	simm.s32 @p1 $0x1  }
0x15: {  	[smem:$0x3FB9] =	sst s0;
	s0 =	simm.s32 @!p2 $0x0  }
0x16: {  	s3 =	sld [smem:$0x3FDB];
	s0 =	simm.s32 @p2 $0x1  }
0x17: {  	s4 =	simm.s32 $0x1BF5;
	[smem:$0x3FBB] =	sst s0  }
0x18: {  	s0 =	sld [smem:$0x3F9E];
	_ =	swait.ge [sflag:s4], $0x0  }
0x19: {  	s7 =	sld [smem:$0x3F9F]  }
0x1a: {  	s8 =	sadd.s32 $0xFFFFE003, lr  }
0x1b: {  	s9 =	sadd.s32 $0xFFFFFEF7, lr;
	s5 =	simm.s32 $0xFFFFFFFF;
	p2 =	slt.u32 s8, $0xFFFFF086  }
0x1c: {  	p1 =	slt.u32 s9, $0xF7A;
	s5 =	simm.s32 @!p2 $0x0  }
0x1d: {  	s5 =	simm.s32 @p1 $0x1;
	p0 =	seq.s32 s7, s2  }
0x1e: {  	s7 =	smul.u32 @!p0 $0xF7A, s2;
	p2 =	seq.s32 @!p0 s5, $0x0  }
0x1f: {  	s9 =	smul.u32 $0xF7A, s1;
	s8 =	simm.s32 @!p0 $0x1BF5;
	p2 =	por !p2, p0  }
0x20: {  	[sflag:s8] =	ssyncset.s32 @!p0 $0xFFFFF086;
	s6 =	sadd.s32 @!p0 s3, s7;
	s7 =	simm.s32 @!p0 $0x108  }
0x21: {  	s3 =	sadd.s32 s3, s9;
	s6 =	sadd.s32 @!p0 $0x88, s6;
	s7 =	simm.s32 @p2 $0x1082  }
0x22: {  	[simem:s7], [sflag:s8] =	dma.local @!p0 [hbm:s6], $0xF7A  }
0x23: {  	s9 =	sor.u32 $0xD0000000, s2;
	s6 =	simm.s32 $0x108;
	_ =	swait.ge @!p0 [sflag:s8], $0x0  }
0x24: {  	s3 =	sadd.s32 $0x88, s3;
	s6 =	simm.s32 @!p1 $0x1082;
	[sflag:s4] =	ssyncset.s32 $0xFFFFF086  }
0x25: {  	[simem:s6], [sflag:s4] =	dma.local [hbm:s3], $0xF7A  }
0x26: {  	[smem:$0x3F9F] =	sst s1;
	(tag) =	ssettag s2;
	_ =	strace s9  }
0x27: {  	s1 =	sld [smem:$0x3FAF]  }
0x28: {  	s2 =	sld [smem:$0x3FB0]  }
0x29: {  	s4 =	sld [smem:$0x3FB2]  }
0x2a: {  	p0 =	seq.s32 s5, $0x0;
	s5 =	sld [smem:$0x3FB3]  }
0x2b: {  	s6 =	sld [smem:$0x3FB4]  }
0x2c: {  	s7 =	sld [smem:$0x3FB5]  }
0x2d: {  	s3 =	simm.s32 $0x108;
	s8 =	sld [smem:$0x3FB6]  }
0x2e: {  	s3 =	simm.s32 @!p0 $0x1082;
	s9 =	sld [smem:$0x3FB7]  }
0x2f: {  	lr =	sadd.s32 s0, s3;
	s0 =	sld [smem:$0x3FAE]  }
0x30: {  	s3 =	sld [smem:$0x3FB1]  }
0x31: {  	[smem:$0x3FBA] =	sst s10  }
0x32: {  	s10 =	sld [smem:$0x3FB8];
	_ =	sdelay $0x3  }
0x33: {  	p0 =	seq.s32 s10, $0x1;
	s10 =	sld [smem:$0x3FBA];
	_ =	sdelay $0x3  }
0x34: {  	[smem:$0x3FBA] =	sst s10  }
0x35: {  	s10 =	sld [smem:$0x3FB9];
	_ =	sdelay $0x3  }
0x36: {  	p1 =	seq.s32 s10, $0x1;
	s10 =	sld [smem:$0x3FBA];
	_ =	sdelay $0x3  }
0x37: {  	[smem:$0x3FBA] =	sst s10  }
0x38: {  	s10 =	sld [smem:$0x3FBB]  }
0x39: {  	_ = 	snop;
	(pc) =	sbr.ind lr, $3  }
0x3a: {  	_ = 	snop  }
0x3b: {  	_ = 	snop  }
0x3c: {  	p2 =	seq.s32 s10, $0x1;
	s10 =	sld [smem:$0x3FBA]  }
0x3d: {  	_ =	shalt  }
0x3e: {  	_ =	shalt  }
0x3f: {  	_ =	shalt  }
0x40: {  	_ =	shalt  }
0x41: {  	_ =	shalt  }
0x42: {  	_ =	shalt  }
0x43: {  	_ =	shalt  }
0x44: {  	_ =	shalt  }
0x45: {  	_ =	shalt  }
0x46: {  	_ =	shalt  }
0x47: {  	_ =	shalt  }
0x48: {  	_ =	shalt  }
0x49: {  	_ =	shalt  }
0x4a: {  	_ =	shalt  }
0x4b: {  	_ =	shalt  }
0x4c: {  	_ =	shalt  }
0x4d: {  	_ =	shalt  }
0x4e: {  	_ =	shalt  }
0x4f: {  	_ =	shalt  }
0x50: {  	_ =	shalt  }
0x51: {  	_ =	shalt  }
0x52: {  	_ =	shalt  }
0x53: {  	_ =	shalt  }
0x54: {  	_ =	shalt  }
0x55: {  	_ =	shalt  }
0x56: {  	_ =	shalt  }
0x57: {  	_ =	shalt  }
0x58: {  	_ =	shalt  }
0x59: {  	_ =	shalt  }
0x5a: {  	_ =	shalt  }
0x5b: {  	_ =	shalt  }
0x5c: {  	_ =	shalt  }
0x5d: {  	_ =	shalt  }
0x5e: {  	_ =	shalt  }
0x5f: {  	_ =	shalt  }
0x60: {  	_ =	shalt  }
0x61: {  	_ =	shalt  }
0x62: {  	_ =	shalt  }
0x63: {  	_ =	shalt  }
0x64: {  	_ =	shalt  }
0x65: {  	_ =	shalt  }
0x66: {  	_ =	shalt  }
0x67: {  	_ =	shalt  }
0x68: {  	_ =	shalt  }
0x69: {  	_ =	shalt  }
0x6a: {  	_ =	shalt  }
0x6b: {  	_ =	shalt  }
0x6c: {  	_ =	shalt  }
0x6d: {  	_ =	shalt  }
0x6e: {  	_ =	shalt  }
0x6f: {  	_ =	shalt  }
0x70: {  	_ =	shalt  }
0x71: {  	_ =	shalt  }
0x72: {  	_ =	shalt  }
0x73: {  	_ =	shalt  }
0x74: {  	_ =	shalt  }
0x75: {  	_ =	shalt  }
0x76: {  	_ =	shalt  }
0x77: {  	_ =	shalt  }
0x78: {  	_ =	shalt  }
0x79: {  	_ =	shalt  }
0x7a: {  	_ =	shalt  }
0x7b: {  	_ =	shalt  }
0x7c: {  	_ =	shalt  }
0x7d: {  	_ =	shalt  }
0x7e: {  	_ =	shalt  }
0x7f: {  	_ =	shalt  }
0x80: {  	_ =	shalt  }
0x81: {  	_ =	shalt  }
0x82: {  	_ =	shalt  }
0x83: {  	_ =	shalt  }
0x84: {  	_ =	shalt  }
0x85: {  	_ =	shalt  }
0x86: {  	_ =	shalt  }
0x87: {  	_ =	shalt  }
.Lfunc_end0:
.L_simem_size_0:
called_computation_lowered:
.L_overlay_start_0:
0x88: {  	s2 =	sld [smem:$0x3FD9]  }
0x89: {  	s3 =	sld [smem:$0x3FFE];
	_ =	sdelay $0x1  }
0x8a: {  	s1 =	srdreg.scid  }
0x8b: {  	s0 =	sand.u32 $0x1, s1  }
0x8c: {  	s18 =	sshll.u32 s0, $0xA;
	s2 =	sadd.s32 s3, s2  }
0x8d: {  	s2 =	sadd.s32 s2, s18  }
0x8e: {  	[smem:$0x3FC6] =	sst s2  }
0x8f: {  	_ = 	snop  }
0x90: {  	s2 =	sld [smem:$0x3FC9]  }
0x91: {  	s19 =	sld [smem:$0x3FC8]  }
0x92: {  	s4 =	sld [smem:$0x3FD0];
	(tm) =	ssettm $0x1  }
0x93: {  	s5 =	sld [smem:$0x3FFB];
	_ =	sdelay $0x3  }
0x94: {  	_ =	strace s5  }
0x95: {  	s5 =	sld [smem:$0x3FFC];
	_ =	sdelay $0x3  }
0x96: {  	_ =	strace s5  }
0x97: {  	s5 =	sld [smem:$0x3FFD];
	_ =	sdelay $0x3  }
0x98: {  	_ =	strace s5  }
0x99: {  	_ =	strace $0x8FFFFFFF  }
0x9a: {  	s20 =	sld [smem:$0x3FDB];
	_ =	sdelay $0x1  }
0x9b: {  	s6 =	simm.s32 $_scs_section_size  }
0x9c: {  	s7 =	simm.s32 $_size__tile_overlayer_lowered;
	s8 =	simm.s32 $_tile_overlayer_lowered  }
0x9d: {  	s23 =	simm.s32 $0x1BFF;
	s22 =	sshll.u32 s8, $0x1;
	s5 =	sadd.s32 s6, s20  }
0x9e: {  	s9 =	simm.s32 $0x0;
	s21 =	sshll.u32 s7, $0x1;
	s7 =	sadd.s32 s22, s5  }
0x9f: {  	[timem:s9], [sflag:s23] =	dma.local [hbm:s7], s21  }
0xa0: {  	_ =	swait.ge [sflag:s23], s21  }
0xa1: {  	s6 =	ssub.s32 $0x0, s21;
	[sflag:s23] =	ssyncset.done $0x0  }
0xa2: {  	[sflag:s23] =	ssyncadd.s32 s6;
	_ =	sdelay $0x1  }
0xa3: {  	s24 =	simm.s32 $0x1B8B  }
0xa4: {  	_ =	swait.ge [sflag:s24], $0x1  }
0xa5: {  	[sflag:s24] =	ssyncset.done $0x0  }
0xa6: {  	s25 =	simm.s32 $0x1B8E;
	[sflag:s24] =	ssyncadd.s32 $0xFFFFFFFF  }
0xa7: {  	s26 =	simm.s32 $execute0_lowered;
	[smem:$0x3FD2] =	sst s25  }
0xa8: {  	s6 =	sshll.u32 s26, $0x1;
	_ =	strace $0x80000046;
	[dreg:$0x1] =	wrdreg $0xFFFFFFFF  }
0xa9: {  	s28 =	simm.s32 $_size_execute0_lowered;
	s5 =	sadd.s32 s5, s6;
	[dreg:$0x0] =	wrdreg $0x0  }
0xaa: {  	s6 =	sshll.u32 s28, $0x1;
	[dreg:$0x2] =	wrdreg s5  }
0xab: {  	[dreg:$0x3] =	wrdreg s6  }
0xac: {  	[dreg:$0x4] =	wrdreg $0xC0  }
0xad: {  	_ =	task [dreg:s9], $0x5FFFF  }
0xae: {  	[dreg:$0x1] =	wrdreg $0xFFFFFFFF  }
0xaf: {  	[dreg:$0x0] =	wrdreg $0x60  }
0xb0: {  	[dreg:$0x2] =	wrdreg s2  }
0xb1: {  	[dreg:$0x3] =	wrdreg s19  }
0xb2: {  	[dreg:$0x4] =	wrdreg s4  }
0xb3: {  	[dreg:$0x5] =	wrdreg $0x9  }
0xb4: {  	_ =	task.clear_ibuf [dreg:s9], $0x6FFFF;
	_ =	strace $0x90000046  }
0xb5: {  	s29 =	simm.s32 $0x9;
	_ =	strace $0x80000048  }
0xb6: {  	_ =	swait.ge [sflag:s29], $0x1  }
0xb7: {  	[sflag:s29] =	ssyncadd.s32 $0xFFFFFFFF  }
0xb8: {  	_ =	strace $0x90000048  }
0xb9: {  	_ =	sfence  }
0xba: {  	s30 =	sld [smem:$0x0];
	_ =	sdelay $0x2  }
0xbb: {  	s31 =	sshll.u32 s1, $0xD;
	s1 =	sshrl.u32 s1, $0x2  }
0xbc: {  	s3 =	sand.u32 $0x4000, s31;
	s1 =	sadd.s32 s1, s30  }
0xbd: {  	s0 =	sor.u32 s3, s0;
	s1 =	sshll.u32 s1, $0x11  }
0xbe: {  	s0 =	sor.u32 s1, s0  }
0xbf: {  	s0 =	sadd.s32 $0x8F2B, s0  }
0xc0: {  	[sflag:s0] =	ssyncadd.remote.s32 $0x1  }
0xc1: {  	_ =	sfence.sel $0xFFFF  }
0xc2: {  	[dreg:$0x0] =	wrdreg $0xFFFFFFFF;
	(pc) =	sbr.abs _section_cstart, $3  }
0xc3: {  	[dreg:$0x1] =	wrdreg $0xFFFFFFFF  }
0xc4: {  	_ =	task.clear_ibuf [dreg:s9], $0x2FFFF;
	_ =	strace $0x9FFFFFFF  }
0xc5: {  	(tm) =	ssettm $0x7FFFFFFF  }
tec
execute0_lowered:
.L_overlay_start_1:
0x0: {  	(tag) =	ssettag $0x1  }
0x1: {  	s1 =	rddreg [dreg:$0x0]  }
0x2: {  	s3 =	rddreg [dreg:$0x1]  }
0x3: {  	s4 =	rddreg [dreg:$0x2];
	s5 =	srdreg.scid  }
0x4: {  	s0 =	rddreg [dreg:$0x3];
	s2 =	stileid.u32;
	s11 =	simm.s32 $0x80  }
0x5: {  	s12 =	simm.s32 $0x400;
	s13 =	simm.s32 $0x18700;
	s14 =	simm.s32 $0x4  }
0x6: {  	s15 =	simm.s32 $0x1;
	s16 =	simm.s32 $0x2;
	s17 =	simm.s32 $0x3  }
0x7: {  	s18 =	simm.s32 $0x0;
	s6 =	sand.u32 $0x1, s5;
	s5 =	simm.s32 $0x0  }
0x8: {  	s8 =	sshll.u32 s2, $0x1;
	s7 =	ssub.s32 $0x2, s6;
	[smem:$0x7FF] =	sst s5  }
0x9: {  	s6 =	sor.u32 s6, s8;
	s8 =	sadd.s32 $0x2000, s4;
	s9 =	sshrl.u32 s7, $0x1  }
0xa: {  	_ =	strace $0x80000047;
	s6 =	smul.u32 $0xD, s6;
	s10 =	ssub.s32 s7, s9  }
0xb: {  	s7 =	sadd.s32 $0x1000, s4;
	s9 =	sadd.s32 $0x3000, s4;
	s10 =	smax.u32 s10, $0x1  }
.LBB2_1:
0xc: {  	s19 =	simm.s32 $0x0  }
.LBB2_2:
0xd: {  	s20 =	sadd.s32 s6, s19  }
0xe: {  	s23 =	sand.u32 $0xF, s20;
	s21 =	sshrl.u32 s20, $0x4  }
0xf: {  	s21 =	smul.u32 $0x187000, s21;
	s22 =	sshrl.u32 s23, $0x3  }
0x10: {  	s24 =	smul.u32 $0xC3800, s22  }
0x11: {  	s22 =	sshll.u32 s20, $0x7  }
0x12: {  	s24 =	sadd.s32 s21, s24;
	s21 =	sand.u32 $0x380, s22  }
0x13: {  	s24 =	sor.u32 s21, s24  }
0x14: {  	s24 =	sshrl.u32 s24, $0x3  }
0x15: {  	p0 =	seq.s32 s19, $0x0;
	s24 =	sadd.s32 s3, s24  }
0x16: {  	[tilespmem:s5], [sflag:$0x1] =	stream.strided.gather [hbm4b:s24+s11], $0x18700, s12, s11, $0x38;
	[tilespmem:$0x1E700] =	vst v63  }
0x17: {  	s24 =	simm.s32 @!p0 $0x2  }
0x18: {  	_ =	swait.ge @!p0 [sflag:s24], $0x1000  }
0x19: {  	p1 =	sne.s32 @!p0 s23, $0x0;
	[sflag:s24] =	ssyncset.done @!p0 $0x0  }
0x1a: {  	p1 =	por p0, !p1;
	[sflag:s24] =	ssyncadd.s32 @!p0 $0xFFFFF000;
	s24 =	simm.s32 @!p0 $0x3  }
0x1b: {  	s23 =	sand.u32 @p1 $0x70, s20;
	_ =	swait.ge @!p0 [sflag:s24], $0x1000  }
0x1c: {  	s22 =	sand.u32 @p1 $0xFFFC000, s22;
	s23 =	sadd.s32 @p1 s1, s23;
	[sflag:s24] =	ssyncset.done @!p0 $0x0  }
0x1d: {  	s22 =	sadd.s32 @p1 s22, s23;
	[sflag:s24] =	ssyncadd.s32 @!p0 $0xFFFFF000  }
0x1e: {  	[tilespmem:s13], [sflag:$0x4] =	stream.strided.gather @p1 [hbm4b:s22+s11], $0x4000, s12, s11, $0x38;
	[tilespmem:$0x1E700] =	vst v63  }
0x1f: {  	_ =	swait.ge @p1 [sflag:s14], $0x4000  }
0x20: {  	[sflag:s14] =	ssyncset.done @p1 $0x0  }
0x21: {  	[sflag:s14] =	ssyncadd.s32 @p1 $0xFFFFC000  }
0x22: {  	_ =	swait.ge [sflag:s15], $0x18700  }
0x23: {  	[sflag:s15] =	ssyncset.done $0x0  }
0x24: {  	s31 =	simm.s32 $0x18780;
	[sflag:s15] =	ssyncadd.s32 $0xFFFE7900  }
0x25: {  	v0 =	vld [tilespmem:s31+$0x70]  }
0x26: {  	v1 =	vld [tilespmem:s31+$0xFFFFFF90]  }
0x27: {  	v2 =	vld [tilespmem:s31+$0xFFFFFFA0]  }
0x28: {  	v3 =	vld [tilespmem:s31+$0xFFFFFFB0]  }
0x29: {  	v4 =	vld [tilespmem:s31+$0xFFFFFFC0]  }
0x2a: {  	v5 =	vld [tilespmem:s31+$0xFFFFFFD0]  }
0x2b: {  	v6 =	vld [tilespmem:s31+$0xFFFFFFE0]  }
0x2c: {  	v7 =	vld [tilespmem:s31+$0xFFFFFFF0]  }
0x2d: {  	v8 =	vld [tilespmem:s31+$0x0]  }
0x2e: {  	v9 =	vld [tilespmem:s31+$0x10]  }
0x2f: {  	v10 =	vld [tilespmem:s31+$0x20]  }
0x30: {  	v11 =	vld [tilespmem:s31+$0x30]  }
0x31: {  	v12 =	vld [tilespmem:s31+$0x40]  }
0x32: {  	v13 =	vld [tilespmem:s31+$0x50]  }
0x33: {  	v14 =	vld [tilespmem:s31+$0x60]  }
0x34: {  	v15 =	vld [tilespmem:s31+$0xFFFFFF80]  }
0x35: {  	v0 =	vld.idx.msk [tilespmem:v0+s5+$0x0], $0xffff  }
0x36: {  	v1 =	vld.idx.msk [tilespmem:v1+s5+$0x0], $0xffff  }
0x37: {  	v2 =	vld.idx.msk [tilespmem:v2+s5+$0x0], $0xffff  }
0x38: {  	v3 =	vld.idx.msk [tilespmem:v3+s5+$0x0], $0xffff  }
0x39: {  	v4 =	vld.idx.msk [tilespmem:v4+s5+$0x0], $0xffff  }
0x3a: {  	s22 =	simm.s32 $0x1C800;
	v5 =	vld.idx.msk [tilespmem:v5+s5+$0x0], $0xffff  }
0x3b: {  	v6 =	vld.idx.msk [tilespmem:v6+s5+$0x0], $0xffff;
	[tilespmem:s22+$0x70] =	vst v0  }
0x3c: {  	v7 =	vld.idx.msk [tilespmem:v7+s5+$0x0], $0xffff;
	[tilespmem:s22+$0xFFFFFF10] =	vst v1  }
0x3d: {  	v15 =	vld.idx.msk [tilespmem:v15+s5+$0x0], $0xffff;
	[tilespmem:s22+$0xFFFFFF20] =	vst v2  }
0x3e: {  	v8 =	vld.idx.msk [tilespmem:v8+s5+$0x0], $0xffff;
	[tilespmem:s22+$0xFFFFFF30] =	vst v3  }
0x3f: {  	[tilespmem:s22+$0xFFFFFF40] =	vst v4;
	v0 =	vld.idx.msk [tilespmem:v9+s5+$0x0], $0xffff  }
0x40: {  	[tilespmem:s22+$0xFFFFFF50] =	vst v5;
	v1 =	vld.idx.msk [tilespmem:v10+s5+$0x0], $0xffff  }
0x41: {  	[tilespmem:s22+$0xFFFFFF60] =	vst v6;
	v2 =	vld.idx.msk [tilespmem:v11+s5+$0x0], $0xffff  }
0x42: {  	[tilespmem:s22+$0xFFFFFF70] =	vst v7;
	v3 =	vld.idx.msk [tilespmem:v12+s5+$0x0], $0xffff  }
0x43: {  	[tilespmem:s22+$0xFFFFFF00] =	vst v15;
	v4 =	vld.idx.msk [tilespmem:v13+s5+$0x0], $0xffff  }
0x44: {  	s23 =	simm.s32 $0x0;
	s24 =	simm.s32 $0x18880;
	[tilespmem:s22+$0x0] =	vst v8;
	v5 =	vld.idx.msk [tilespmem:v14+s5+$0x0], $0xffff  }
.LBB2_3:
0x45: {  	v6 =	vld [tilespmem:s24+$0x70];
	s23 =	sadd.s32 $0x100, s23;
	[tilespmem:s22+$0x10] =	vst v0  }
0x46: {  	v0 =	vld [tilespmem:s24+$0xFFFFFF90];
	p0 =	slt.u32 s23, $0xF00;
	[tilespmem:s22+$0x20] =	vst v1  }
0x47: {  	v1 =	vld [tilespmem:s24+$0xFFFFFFA0];
	[tilespmem:s22+$0x30] =	vst v2  }
0x48: {  	v2 =	vld [tilespmem:s24+$0xFFFFFFB0];
	[tilespmem:s22+$0x40] =	vst v3  }
0x49: {  	v3 =	vld [tilespmem:s24+$0xFFFFFFC0];
	[tilespmem:s22+$0x50] =	vst v4  }
0x4a: {  	v4 =	vld [tilespmem:s24+$0xFFFFFFD0];
	[tilespmem:s22+$0x60] =	vst v5  }
0x4b: {  	v5 =	vld [tilespmem:s24+$0xFFFFFFE0]  }
0x4c: {  	v7 =	vld [tilespmem:s24+$0xFFFFFFF0]  }
0x4d: {  	v6 =	vld.idx.msk [tilespmem:v6+s5+$0x0], $0xffff  }
0x4e: {  	v8 =	vld [tilespmem:s24+$0x0]  }
0x4f: {  	v9 =	vld [tilespmem:s24+$0x10]  }
0x50: {  	v10 =	vld [tilespmem:s24+$0x20]  }
0x51: {  	v11 =	vld [tilespmem:s24+$0x30]  }
0x52: {  	s22 =	sadd.s32 $0x200, s22;
	v12 =	vld [tilespmem:s24+$0x40]  }
0x53: {  	v13 =	vld [tilespmem:s24+$0x50];
	[tilespmem:s22+$0x70] =	vst v6  }
0x54: {  	v6 =	vld [tilespmem:s24+$0x60]  }
0x55: {  	v14 =	vld [tilespmem:s24+$0xFFFFFF80]  }
0x56: {  	v0 =	vld.idx.msk [tilespmem:v0+s5+$0x0], $0xffff  }
0x57: {  	v1 =	vld.idx.msk [tilespmem:v1+s5+$0x0], $0xffff  }
0x58: {  	v2 =	vld.idx.msk [tilespmem:v2+s5+$0x0], $0xffff  }
0x59: {  	v3 =	vld.idx.msk [tilespmem:v3+s5+$0x0], $0xffff  }
0x5a: {  	v4 =	vld.idx.msk [tilespmem:v4+s5+$0x0], $0xffff  }
0x5b: {  	v5 =	vld.idx.msk [tilespmem:v5+s5+$0x0], $0xffff  }
0x5c: {  	[tilespmem:s22+$0xFFFFFF10] =	vst v0;
	v7 =	vld.idx.msk [tilespmem:v7+s5+$0x0], $0xffff  }
0x5d: {  	v14 =	vld.idx.msk [tilespmem:v14+s5+$0x0], $0xffff;
	[tilespmem:s22+$0xFFFFFF20] =	vst v1  }
0x5e: {  	[tilespmem:s22+$0xFFFFFF30] =	vst v2;
	v8 =	vld.idx.msk [tilespmem:v8+s5+$0x0], $0xffff  }
0x5f: {  	[tilespmem:s22+$0xFFFFFF40] =	vst v3;
	v0 =	vld.idx.msk [tilespmem:v9+s5+$0x0], $0xffff  }
.Ltmp0:
0x60: {  	[tilespmem:s22+$0xFFFFFF50] =	vst v4;
	v1 =	vld.idx.msk [tilespmem:v10+s5+$0x0], $0xffff;
	(pc) =	sbr.rel @p0 .LBB2_3-.Ltmp0, $4  }
0x61: {  	[tilespmem:s22+$0xFFFFFF60] =	vst v5;
	v2 =	vld.idx.msk [tilespmem:v11+s5+$0x0], $0xffff  }
0x62: {  	[tilespmem:s22+$0xFFFFFF70] =	vst v7;
	v3 =	vld.idx.msk [tilespmem:v12+s5+$0x0], $0xffff  }
0x63: {  	[tilespmem:s22+$0xFFFFFF00] =	vst v14;
	v4 =	vld.idx.msk [tilespmem:v13+s5+$0x0], $0xffff  }
0x64: {  	s24 =	sadd.s32 $0x100, s24;
	[tilespmem:s22+$0x0] =	vst v8;
	v5 =	vld.idx.msk [tilespmem:v6+s5+$0x0], $0xffff  }
0x65: {  	[tilespmem:s22+$0x10] =	vst v0  }
0x66: {  	[tilespmem:s22+$0x20] =	vst v1;
	s20 =	sshll.u32 s20, $0xE  }
0x67: {  	[tilespmem:s22+$0x30] =	vst v2;
	s20 =	sand.u32 $0x7FFE0000, s20  }
0x68: {  	[tilespmem:s22+$0x40] =	vst v3;
	s20 =	sor.u32 s21, s20  }
0x69: {  	[tilespmem:s22+$0x50] =	vst v4;
	s20 =	sshrl.u32 s20, $0x3  }
0x6a: {  	s23 =	simm.s32 $0x1C700;
	[tilespmem:s22+$0x60] =	vst v5;
	s21 =	sadd.s32 s4, s20;
	s22 =	simm.s32 $0x0  }
.LBB2_5:
0x6b: {  	p0 =	sne.s32 s22, $0xF80  }
.Ltmp1:
0x6c: {  	_ = 	snop;
	(pc) =	sbr.rel @p0 .LBB2_5-.Ltmp1, $4  }
0x6d: {  	_ = 	snop  }
0x6e: {  	s24 =	sadd.s32 s22, s21  }
0x6f: {  	[hbm4b:s24+s5] =	stream.linear.scatter [tilespmem:s23], [sflag:$0x2], $0x80, $0x38;
	[tilespmem:$0x1E700] =	vst v63  }
0x70: {  	s22 =	sadd.s32 $0x80, s22;
	s23 =	sadd.s32 $0x100, s23  }
0x71: {  	s21 =	simm.s32 $0x197F0  }
0x72: {  	v0 =	vld [tilespmem:s21+$0x0]  }
0x73: {  	v1 =	vld [tilespmem:s21+$0xFFFFFF20]  }
0x74: {  	v2 =	vld [tilespmem:s21+$0xFFFFFF30]  }
0x75: {  	v3 =	vld [tilespmem:s21+$0xFFFFFF40]  }
0x76: {  	v4 =	vld [tilespmem:s21+$0xFFFFFF50]  }
0x77: {  	v5 =	vld [tilespmem:s21+$0xFFFFFF60]  }
0x78: {  	v6 =	vld [tilespmem:s21+$0xFFFFFF70]  }
0x79: {  	v7 =	vld [tilespmem:s21+$0xFFFFFF80]  }
0x7a: {  	v8 =	vld [tilespmem:s21+$0xFFFFFF90]  }
0x7b: {  	v9 =	vld [tilespmem:s21+$0xFFFFFFA0]  }
0x7c: {  	v10 =	vld [tilespmem:s21+$0xFFFFFFB0]  }
0x7d: {  	v11 =	vld [tilespmem:s21+$0xFFFFFFC0]  }
0x7e: {  	v12 =	vld [tilespmem:s21+$0xFFFFFFD0]  }
0x7f: {  	v13 =	vld [tilespmem:s21+$0xFFFFFFE0]  }
0x80: {  	v14 =	vld [tilespmem:s21+$0xFFFFFFF0]  }
0x81: {  	v15 =	vld [tilespmem:s21+$0xFFFFFF10]  }
0x82: {  	v0 =	vld.idx.msk [tilespmem:v0+s5+$0x0], $0xffff  }
0x83: {  	v1 =	vld.idx.msk [tilespmem:v1+s5+$0x0], $0xffff  }
0x84: {  	v2 =	vld.idx.msk [tilespmem:v2+s5+$0x0], $0xffff  }
0x85: {  	v3 =	vld.idx.msk [tilespmem:v3+s5+$0x0], $0xffff  }
0x86: {  	v4 =	vld.idx.msk [tilespmem:v4+s5+$0x0], $0xffff  }
0x87: {  	s21 =	simm.s32 $0x1C880;
	v5 =	vld.idx.msk [tilespmem:v5+s5+$0x0], $0xffff  }
0x88: {  	v6 =	vld.idx.msk [tilespmem:v6+s5+$0x0], $0xffff;
	[tilespmem:s21+$0x70] =	vst v0  }
0x89: {  	v7 =	vld.idx.msk [tilespmem:v7+s5+$0x0], $0xffff;
	[tilespmem:s21+$0xFFFFFF10] =	vst v1  }
0x8a: {  	v15 =	vld.idx.msk [tilespmem:v15+s5+$0x0], $0xffff;
	[tilespmem:s21+$0xFFFFFF20] =	vst v2  }
0x8b: {  	v8 =	vld.idx.msk [tilespmem:v8+s5+$0x0], $0xffff;
	[tilespmem:s21+$0xFFFFFF30] =	vst v3  }
0x8c: {  	[tilespmem:s21+$0xFFFFFF40] =	vst v4;
	v0 =	vld.idx.msk [tilespmem:v9+s5+$0x0], $0xffff  }
0x8d: {  	[tilespmem:s21+$0xFFFFFF50] =	vst v5;
	v1 =	vld.idx.msk [tilespmem:v10+s5+$0x0], $0xffff  }
0x8e: {  	[tilespmem:s21+$0xFFFFFF60] =	vst v6;
	v2 =	vld.idx.msk [tilespmem:v11+s5+$0x0], $0xffff  }
0x8f: {  	[tilespmem:s21+$0xFFFFFF70] =	vst v7;
	v3 =	vld.idx.msk [tilespmem:v12+s5+$0x0], $0xffff  }
0x90: {  	[tilespmem:s21+$0xFFFFFF00] =	vst v15;
	v4 =	vld.idx.msk [tilespmem:v13+s5+$0x0], $0xffff  }
0x91: {  	s22 =	simm.s32 $0x0;
	s23 =	simm.s32 $0x198F0;
	[tilespmem:s21+$0x0] =	vst v8;
	v5 =	vld.idx.msk [tilespmem:v14+s5+$0x0], $0xffff  }
.LBB2_7:
0x92: {  	v6 =	vld [tilespmem:s23+$0x0];
	s22 =	sadd.s32 $0x100, s22;
	[tilespmem:s21+$0x10] =	vst v0  }
0x93: {  	v0 =	vld [tilespmem:s23+$0xFFFFFF20];
	p0 =	slt.u32 s22, $0xF00;
	[tilespmem:s21+$0x20] =	vst v1  }
0x94: {  	v1 =	vld [tilespmem:s23+$0xFFFFFF30];
	[tilespmem:s21+$0x30] =	vst v2  }
0x95: {  	v2 =	vld [tilespmem:s23+$0xFFFFFF40];
	[tilespmem:s21+$0x40] =	vst v3  }
0x96: {  	v3 =	vld [tilespmem:s23+$0xFFFFFF50];
	[tilespmem:s21+$0x50] =	vst v4  }
0x97: {  	v4 =	vld [tilespmem:s23+$0xFFFFFF60];
	[tilespmem:s21+$0x60] =	vst v5  }
0x98: {  	v5 =	vld [tilespmem:s23+$0xFFFFFF70]  }
0x99: {  	v7 =	vld [tilespmem:s23+$0xFFFFFF80]  }
0x9a: {  	v6 =	vld.idx.msk [tilespmem:v6+s5+$0x0], $0xffff  }
0x9b: {  	v8 =	vld [tilespmem:s23+$0xFFFFFF90]  }
0x9c: {  	v9 =	vld [tilespmem:s23+$0xFFFFFFA0]  }
0x9d: {  	v10 =	vld [tilespmem:s23+$0xFFFFFFB0]  }
0x9e: {  	v11 =	vld [tilespmem:s23+$0xFFFFFFC0]  }
0x9f: {  	s21 =	sadd.s32 $0x200, s21;
	v12 =	vld [tilespmem:s23+$0xFFFFFFD0]  }
0xa0: {  	v13 =	vld [tilespmem:s23+$0xFFFFFFE0];
	[tilespmem:s21+$0x70] =	vst v6  }
0xa1: {  	v6 =	vld [tilespmem:s23+$0xFFFFFFF0]  }
0xa2: {  	v14 =	vld [tilespmem:s23+$0xFFFFFF10]  }
0xa3: {  	v0 =	vld.idx.msk [tilespmem:v0+s5+$0x0], $0xffff  }
0xa4: {  	v1 =	vld.idx.msk [tilespmem:v1+s5+$0x0], $0xffff  }
0xa5: {  	v2 =	vld.idx.msk [tilespmem:v2+s5+$0x0], $0xffff  }
0xa6: {  	v3 =	vld.idx.msk [tilespmem:v3+s5+$0x0], $0xffff  }
0xa7: {  	v4 =	vld.idx.msk [tilespmem:v4+s5+$0x0], $0xffff  }
0xa8: {  	v5 =	vld.idx.msk [tilespmem:v5+s5+$0x0], $0xffff  }
0xa9: {  	[tilespmem:s21+$0xFFFFFF10] =	vst v0;
	v7 =	vld.idx.msk [tilespmem:v7+s5+$0x0], $0xffff  }
0xaa: {  	v14 =	vld.idx.msk [tilespmem:v14+s5+$0x0], $0xffff;
	[tilespmem:s21+$0xFFFFFF20] =	vst v1  }
0xab: {  	[tilespmem:s21+$0xFFFFFF30] =	vst v2;
	v8 =	vld.idx.msk [tilespmem:v8+s5+$0x0], $0xffff  }
0xac: {  	[tilespmem:s21+$0xFFFFFF40] =	vst v3;
	v0 =	vld.idx.msk [tilespmem:v9+s5+$0x0], $0xffff  }
.Ltmp2:
0xad: {  	[tilespmem:s21+$0xFFFFFF50] =	vst v4;
	v1 =	vld.idx.msk [tilespmem:v10+s5+$0x0], $0xffff;
	(pc) =	sbr.rel @p0 .LBB2_7-.Ltmp2, $4  }
0xae: {  	[tilespmem:s21+$0xFFFFFF60] =	vst v5;
	v2 =	vld.idx.msk [tilespmem:v11+s5+$0x0], $0xffff  }
0xaf: {  	[tilespmem:s21+$0xFFFFFF70] =	vst v7;
	v3 =	vld.idx.msk [tilespmem:v12+s5+$0x0], $0xffff  }
0xb0: {  	[tilespmem:s21+$0xFFFFFF00] =	vst v14;
	v4 =	vld.idx.msk [tilespmem:v13+s5+$0x0], $0xffff  }
0xb1: {  	s23 =	sadd.s32 $0x100, s23;
	[tilespmem:s21+$0x0] =	vst v8;
	v5 =	vld.idx.msk [tilespmem:v6+s5+$0x0], $0xffff  }
0xb2: {  	[tilespmem:s21+$0x10] =	vst v0  }
0xb3: {  	[tilespmem:s21+$0x20] =	vst v1  }
0xb4: {  	[tilespmem:s21+$0x30] =	vst v2  }
0xb5: {  	[tilespmem:s21+$0x40] =	vst v3  }
0xb6: {  	s22 =	sadd.s32 s20, s7;
	s23 =	simm.s32 $0x1C780;
	[tilespmem:s21+$0x50] =	vst v4  }
0xb7: {  	s24 =	simm.s32 $0x1C880;
	s25 =	sadd.s32 $0x0, s22;
	[tilespmem:s21+$0x60] =	vst v5;
	s21 =	simm.s32 $0x80  }
.LBB2_9:
0xb8: {  	[hbm4b:s25+s5] =	stream.linear.scatter [tilespmem:s23], [sflag:$0x3], $0x80, $0x38;
	[tilespmem:$0x1E700] =	vst v63  }
0xb9: {  	s25 =	smov.u32 s21;
	s23 =	smov.u32 s24;
	p0 =	sne.s32 s21, $0xF80  }
.Ltmp3:
0xba: {  	s21 =	sadd.s32 $0x80, s21;
	(pc) =	sbr.rel @p0 .LBB2_9-.Ltmp3, $2  }
0xbb: {  	_ =	sdelay $0x2  }
0xbc: {  	s24 =	sadd.s32 $0x100, s24;
	s25 =	sadd.s32 s25, s22  }
0xbd: {  	[hbm4b:s25+s5] =	stream.linear.scatter [tilespmem:s23], [sflag:$0x3], $0x80, $0x38;
	[tilespmem:$0x1E700] =	vst v63  }
0xbe: {  	_ =	swait.ge [sflag:s16], $0x1000  }
0xbf: {  	[sflag:s16] =	ssyncset.done $0x0  }
0xc0: {  	s21 =	simm.s32 $0x1A7F0;
	[sflag:s16] =	ssyncadd.s32 $0xFFFFF000  }
0xc1: {  	v0 =	vld [tilespmem:s21+$0x0]  }
0xc2: {  	v1 =	vld [tilespmem:s21+$0xFFFFFF20]  }
0xc3: {  	v2 =	vld [tilespmem:s21+$0xFFFFFF30]  }
0xc4: {  	v3 =	vld [tilespmem:s21+$0xFFFFFF40]  }
0xc5: {  	v4 =	vld [tilespmem:s21+$0xFFFFFF50]  }
0xc6: {  	v5 =	vld [tilespmem:s21+$0xFFFFFF60]  }
0xc7: {  	v6 =	vld [tilespmem:s21+$0xFFFFFF70]  }
0xc8: {  	v7 =	vld [tilespmem:s21+$0xFFFFFF80]  }
0xc9: {  	v8 =	vld [tilespmem:s21+$0xFFFFFF90]  }
0xca: {  	v9 =	vld [tilespmem:s21+$0xFFFFFFA0]  }
0xcb: {  	v10 =	vld [tilespmem:s21+$0xFFFFFFB0]  }
0xcc: {  	v11 =	vld [tilespmem:s21+$0xFFFFFFC0]  }
0xcd: {  	v12 =	vld [tilespmem:s21+$0xFFFFFFD0]  }
0xce: {  	v13 =	vld [tilespmem:s21+$0xFFFFFFE0]  }
0xcf: {  	v14 =	vld [tilespmem:s21+$0xFFFFFFF0]  }
0xd0: {  	v15 =	vld [tilespmem:s21+$0xFFFFFF10]  }
0xd1: {  	v0 =	vld.idx.msk [tilespmem:v0+s5+$0x0], $0xffff  }
0xd2: {  	v1 =	vld.idx.msk [tilespmem:v1+s5+$0x0], $0xffff  }
0xd3: {  	v2 =	vld.idx.msk [tilespmem:v2+s5+$0x0], $0xffff  }
0xd4: {  	v3 =	vld.idx.msk [tilespmem:v3+s5+$0x0], $0xffff  }
0xd5: {  	v4 =	vld.idx.msk [tilespmem:v4+s5+$0x0], $0xffff  }
0xd6: {  	s21 =	simm.s32 $0x1C800;
	v5 =	vld.idx.msk [tilespmem:v5+s5+$0x0], $0xffff  }
0xd7: {  	v6 =	vld.idx.msk [tilespmem:v6+s5+$0x0], $0xffff;
	[tilespmem:s21+$0x70] =	vst v0  }
0xd8: {  	v7 =	vld.idx.msk [tilespmem:v7+s5+$0x0], $0xffff;
	[tilespmem:s21+$0xFFFFFF10] =	vst v1  }
0xd9: {  	v15 =	vld.idx.msk [tilespmem:v15+s5+$0x0], $0xffff;
	[tilespmem:s21+$0xFFFFFF20] =	vst v2  }
0xda: {  	v8 =	vld.idx.msk [tilespmem:v8+s5+$0x0], $0xffff;
	[tilespmem:s21+$0xFFFFFF30] =	vst v3  }
0xdb: {  	[tilespmem:s21+$0xFFFFFF40] =	vst v4;
	v0 =	vld.idx.msk [tilespmem:v9+s5+$0x0], $0xffff  }
0xdc: {  	[tilespmem:s21+$0xFFFFFF50] =	vst v5;
	v1 =	vld.idx.msk [tilespmem:v10+s5+$0x0], $0xffff  }
0xdd: {  	[tilespmem:s21+$0xFFFFFF60] =	vst v6;
	v2 =	vld.idx.msk [tilespmem:v11+s5+$0x0], $0xffff  }
0xde: {  	[tilespmem:s21+$0xFFFFFF70] =	vst v7;
	v3 =	vld.idx.msk [tilespmem:v12+s5+$0x0], $0xffff  }
0xdf: {  	[tilespmem:s21+$0xFFFFFF00] =	vst v15;
	v4 =	vld.idx.msk [tilespmem:v13+s5+$0x0], $0xffff  }
0xe0: {  	s22 =	simm.s32 $0x0;
	s23 =	simm.s32 $0x1A8F0;
	[tilespmem:s21+$0x0] =	vst v8;
	v5 =	vld.idx.msk [tilespmem:v14+s5+$0x0], $0xffff  }
.LBB2_11:
0xe1: {  	v6 =	vld [tilespmem:s23+$0x0];
	s22 =	sadd.s32 $0x100, s22;
	[tilespmem:s21+$0x10] =	vst v0  }
0xe2: {  	v0 =	vld [tilespmem:s23+$0xFFFFFF20];
	p0 =	slt.u32 s22, $0xF00;
	[tilespmem:s21+$0x20] =	vst v1  }
0xe3: {  	v1 =	vld [tilespmem:s23+$0xFFFFFF30];
	[tilespmem:s21+$0x30] =	vst v2  }
0xe4: {  	v2 =	vld [tilespmem:s23+$0xFFFFFF40];
	[tilespmem:s21+$0x40] =	vst v3  }
0xe5: {  	v3 =	vld [tilespmem:s23+$0xFFFFFF50];
	[tilespmem:s21+$0x50] =	vst v4  }
0xe6: {  	v4 =	vld [tilespmem:s23+$0xFFFFFF60];
	[tilespmem:s21+$0x60] =	vst v5  }
0xe7: {  	v5 =	vld [tilespmem:s23+$0xFFFFFF70]  }
0xe8: {  	v7 =	vld [tilespmem:s23+$0xFFFFFF80]  }
0xe9: {  	v6 =	vld.idx.msk [tilespmem:v6+s5+$0x0], $0xffff  }
0xea: {  	v8 =	vld [tilespmem:s23+$0xFFFFFF90]  }
0xeb: {  	v9 =	vld [tilespmem:s23+$0xFFFFFFA0]  }
0xec: {  	v10 =	vld [tilespmem:s23+$0xFFFFFFB0]  }
0xed: {  	v11 =	vld [tilespmem:s23+$0xFFFFFFC0]  }
0xee: {  	s21 =	sadd.s32 $0x200, s21;
	v12 =	vld [tilespmem:s23+$0xFFFFFFD0]  }
0xef: {  	v13 =	vld [tilespmem:s23+$0xFFFFFFE0];
	[tilespmem:s21+$0x70] =	vst v6  }
0xf0: {  	v6 =	vld [tilespmem:s23+$0xFFFFFFF0]  }
0xf1: {  	v14 =	vld [tilespmem:s23+$0xFFFFFF10]  }
0xf2: {  	v0 =	vld.idx.msk [tilespmem:v0+s5+$0x0], $0xffff  }
0xf3: {  	v1 =	vld.idx.msk [tilespmem:v1+s5+$0x0], $0xffff  }
0xf4: {  	v2 =	vld.idx.msk [tilespmem:v2+s5+$0x0], $0xffff  }
0xf5: {  	v3 =	vld.idx.msk [tilespmem:v3+s5+$0x0], $0xffff  }
0xf6: {  	v4 =	vld.idx.msk [tilespmem:v4+s5+$0x0], $0xffff  }
0xf7: {  	v5 =	vld.idx.msk [tilespmem:v5+s5+$0x0], $0xffff  }
0xf8: {  	[tilespmem:s21+$0xFFFFFF10] =	vst v0;
	v7 =	vld.idx.msk [tilespmem:v7+s5+$0x0], $0xffff  }
0xf9: {  	v14 =	vld.idx.msk [tilespmem:v14+s5+$0x0], $0xffff;
	[tilespmem:s21+$0xFFFFFF20] =	vst v1  }
0xfa: {  	[tilespmem:s21+$0xFFFFFF30] =	vst v2;
	v8 =	vld.idx.msk [tilespmem:v8+s5+$0x0], $0xffff  }
0xfb: {  	[tilespmem:s21+$0xFFFFFF40] =	vst v3;
	v0 =	vld.idx.msk [tilespmem:v9+s5+$0x0], $0xffff  }
.Ltmp4:
0xfc: {  	[tilespmem:s21+$0xFFFFFF50] =	vst v4;
	v1 =	vld.idx.msk [tilespmem:v10+s5+$0x0], $0xffff;
	(pc) =	sbr.rel @p0 .LBB2_11-.Ltmp4, $4  }
0xfd: {  	[tilespmem:s21+$0xFFFFFF60] =	vst v5;
	v2 =	vld.idx.msk [tilespmem:v11+s5+$0x0], $0xffff  }
0xfe: {  	[tilespmem:s21+$0xFFFFFF70] =	vst v7;
	v3 =	vld.idx.msk [tilespmem:v12+s5+$0x0], $0xffff  }
0xff: {  	[tilespmem:s21+$0xFFFFFF00] =	vst v14;
	v4 =	vld.idx.msk [tilespmem:v13+s5+$0x0], $0xffff  }
0x100: {  	s23 =	sadd.s32 $0x100, s23;
	[tilespmem:s21+$0x0] =	vst v8;
	v5 =	vld.idx.msk [tilespmem:v6+s5+$0x0], $0xffff  }
0x101: {  	[tilespmem:s21+$0x10] =	vst v0  }
0x102: {  	[tilespmem:s21+$0x20] =	vst v1  }
0x103: {  	[tilespmem:s21+$0x30] =	vst v2  }
0x104: {  	[tilespmem:s21+$0x40] =	vst v3  }
0x105: {  	s22 =	sadd.s32 s20, s8;
	s23 =	simm.s32 $0x1C700;
	[tilespmem:s21+$0x50] =	vst v4  }
0x106: {  	s24 =	simm.s32 $0x1C800;
	s25 =	sadd.s32 $0x0, s22;
	[tilespmem:s21+$0x60] =	vst v5;
	s21 =	simm.s32 $0x80  }
.LBB2_13:
0x107: {  	[hbm4b:s25+s5] =	stream.linear.scatter [tilespmem:s23], [sflag:$0x2], $0x80, $0x38;
	[tilespmem:$0x1E700] =	vst v63  }
0x108: {  	s25 =	smov.u32 s21;
	s23 =	smov.u32 s24;
	p0 =	sne.s32 s21, $0xF80  }
.Ltmp5:
0x109: {  	s21 =	sadd.s32 $0x80, s21;
	(pc) =	sbr.rel @p0 .LBB2_13-.Ltmp5, $2  }
0x10a: {  	_ =	sdelay $0x2  }
0x10b: {  	s24 =	sadd.s32 $0x100, s24;
	s25 =	sadd.s32 s25, s22  }
0x10c: {  	[hbm4b:s25+s5] =	stream.linear.scatter [tilespmem:s23], [sflag:$0x2], $0x80, $0x38;
	[tilespmem:$0x1E700] =	vst v63  }
0x10d: {  	_ =	swait.ge [sflag:s17], $0x1000  }
0x10e: {  	[sflag:s17] =	ssyncset.done $0x0  }
0x10f: {  	s21 =	simm.s32 $0x1B7F0;
	[sflag:s17] =	ssyncadd.s32 $0xFFFFF000  }
0x110: {  	v0 =	vld [tilespmem:s21+$0x0]  }
0x111: {  	v1 =	vld [tilespmem:s21+$0xFFFFFF20]  }
0x112: {  	v2 =	vld [tilespmem:s21+$0xFFFFFF30]  }
0x113: {  	v3 =	vld [tilespmem:s21+$0xFFFFFF40]  }
0x114: {  	v4 =	vld [tilespmem:s21+$0xFFFFFF50]  }
0x115: {  	v5 =	vld [tilespmem:s21+$0xFFFFFF60]  }
0x116: {  	v6 =	vld [tilespmem:s21+$0xFFFFFF70]  }
0x117: {  	v7 =	vld [tilespmem:s21+$0xFFFFFF80]  }
0x118: {  	v8 =	vld [tilespmem:s21+$0xFFFFFF90]  }
0x119: {  	v9 =	vld [tilespmem:s21+$0xFFFFFFA0]  }
0x11a: {  	v10 =	vld [tilespmem:s21+$0xFFFFFFB0]  }
0x11b: {  	v11 =	vld [tilespmem:s21+$0xFFFFFFC0]  }
0x11c: {  	v12 =	vld [tilespmem:s21+$0xFFFFFFD0]  }
0x11d: {  	v13 =	vld [tilespmem:s21+$0xFFFFFFE0]  }
0x11e: {  	v14 =	vld [tilespmem:s21+$0xFFFFFFF0]  }
0x11f: {  	v15 =	vld [tilespmem:s21+$0xFFFFFF10]  }
0x120: {  	v0 =	vld.idx.msk [tilespmem:v0+s5+$0x0], $0xffff  }
0x121: {  	v1 =	vld.idx.msk [tilespmem:v1+s5+$0x0], $0xffff  }
0x122: {  	v2 =	vld.idx.msk [tilespmem:v2+s5+$0x0], $0xffff  }
0x123: {  	v3 =	vld.idx.msk [tilespmem:v3+s5+$0x0], $0xffff  }
0x124: {  	v4 =	vld.idx.msk [tilespmem:v4+s5+$0x0], $0xffff  }
0x125: {  	s21 =	simm.s32 $0x1C880;
	v5 =	vld.idx.msk [tilespmem:v5+s5+$0x0], $0xffff  }
0x126: {  	v6 =	vld.idx.msk [tilespmem:v6+s5+$0x0], $0xffff;
	[tilespmem:s21+$0x70] =	vst v0  }
0x127: {  	v7 =	vld.idx.msk [tilespmem:v7+s5+$0x0], $0xffff;
	[tilespmem:s21+$0xFFFFFF10] =	vst v1  }
0x128: {  	v15 =	vld.idx.msk [tilespmem:v15+s5+$0x0], $0xffff;
	[tilespmem:s21+$0xFFFFFF20] =	vst v2  }
0x129: {  	v8 =	vld.idx.msk [tilespmem:v8+s5+$0x0], $0xffff;
	[tilespmem:s21+$0xFFFFFF30] =	vst v3  }
0x12a: {  	[tilespmem:s21+$0xFFFFFF40] =	vst v4;
	v0 =	vld.idx.msk [tilespmem:v9+s5+$0x0], $0xffff  }
0x12b: {  	[tilespmem:s21+$0xFFFFFF50] =	vst v5;
	v1 =	vld.idx.msk [tilespmem:v10+s5+$0x0], $0xffff  }
0x12c: {  	[tilespmem:s21+$0xFFFFFF60] =	vst v6;
	v2 =	vld.idx.msk [tilespmem:v11+s5+$0x0], $0xffff  }
0x12d: {  	[tilespmem:s21+$0xFFFFFF70] =	vst v7;
	v3 =	vld.idx.msk [tilespmem:v12+s5+$0x0], $0xffff  }
0x12e: {  	[tilespmem:s21+$0xFFFFFF00] =	vst v15;
	v4 =	vld.idx.msk [tilespmem:v13+s5+$0x0], $0xffff  }
0x12f: {  	s22 =	simm.s32 $0x0;
	s23 =	simm.s32 $0x1B8F0;
	[tilespmem:s21+$0x0] =	vst v8;
	v5 =	vld.idx.msk [tilespmem:v14+s5+$0x0], $0xffff  }
.LBB2_15:
0x130: {  	v6 =	vld [tilespmem:s23+$0x0];
	s22 =	sadd.s32 $0x100, s22;
	[tilespmem:s21+$0x10] =	vst v0  }
0x131: {  	v0 =	vld [tilespmem:s23+$0xFFFFFF20];
	p0 =	slt.u32 s22, $0xF00;
	[tilespmem:s21+$0x20] =	vst v1  }
0x132: {  	v1 =	vld [tilespmem:s23+$0xFFFFFF30];
	[tilespmem:s21+$0x30] =	vst v2  }
0x133: {  	v2 =	vld [tilespmem:s23+$0xFFFFFF40];
	[tilespmem:s21+$0x40] =	vst v3  }
0x134: {  	v3 =	vld [tilespmem:s23+$0xFFFFFF50];
	[tilespmem:s21+$0x50] =	vst v4  }
0x135: {  	v4 =	vld [tilespmem:s23+$0xFFFFFF60];
	[tilespmem:s21+$0x60] =	vst v5  }
0x136: {  	v5 =	vld [tilespmem:s23+$0xFFFFFF70]  }
0x137: {  	v7 =	vld [tilespmem:s23+$0xFFFFFF80]  }
0x138: {  	v6 =	vld.idx.msk [tilespmem:v6+s5+$0x0], $0xffff  }
0x139: {  	v8 =	vld [tilespmem:s23+$0xFFFFFF90]  }
0x13a: {  	v9 =	vld [tilespmem:s23+$0xFFFFFFA0]  }
0x13b: {  	v10 =	vld [tilespmem:s23+$0xFFFFFFB0]  }
0x13c: {  	v11 =	vld [tilespmem:s23+$0xFFFFFFC0]  }
0x13d: {  	s21 =	sadd.s32 $0x200, s21;
	v12 =	vld [tilespmem:s23+$0xFFFFFFD0]  }
0x13e: {  	v13 =	vld [tilespmem:s23+$0xFFFFFFE0];
	[tilespmem:s21+$0x70] =	vst v6  }
0x13f: {  	v6 =	vld [tilespmem:s23+$0xFFFFFFF0]  }
0x140: {  	v14 =	vld [tilespmem:s23+$0xFFFFFF10]  }
0x141: {  	v0 =	vld.idx.msk [tilespmem:v0+s5+$0x0], $0xffff  }
0x142: {  	v1 =	vld.idx.msk [tilespmem:v1+s5+$0x0], $0xffff  }
0x143: {  	v2 =	vld.idx.msk [tilespmem:v2+s5+$0x0], $0xffff  }
0x144: {  	v3 =	vld.idx.msk [tilespmem:v3+s5+$0x0], $0xffff  }
0x145: {  	v4 =	vld.idx.msk [tilespmem:v4+s5+$0x0], $0xffff  }
0x146: {  	v5 =	vld.idx.msk [tilespmem:v5+s5+$0x0], $0xffff  }
0x147: {  	[tilespmem:s21+$0xFFFFFF10] =	vst v0;
	v7 =	vld.idx.msk [tilespmem:v7+s5+$0x0], $0xffff  }
0x148: {  	v14 =	vld.idx.msk [tilespmem:v14+s5+$0x0], $0xffff;
	[tilespmem:s21+$0xFFFFFF20] =	vst v1  }
0x149: {  	[tilespmem:s21+$0xFFFFFF30] =	vst v2;
	v8 =	vld.idx.msk [tilespmem:v8+s5+$0x0], $0xffff  }
0x14a: {  	[tilespmem:s21+$0xFFFFFF40] =	vst v3;
	v0 =	vld.idx.msk [tilespmem:v9+s5+$0x0], $0xffff  }
.Ltmp6:
0x14b: {  	[tilespmem:s21+$0xFFFFFF50] =	vst v4;
	v1 =	vld.idx.msk [tilespmem:v10+s5+$0x0], $0xffff;
	(pc) =	sbr.rel @p0 .LBB2_15-.Ltmp6, $4  }
0x14c: {  	[tilespmem:s21+$0xFFFFFF60] =	vst v5;
	v2 =	vld.idx.msk [tilespmem:v11+s5+$0x0], $0xffff  }
0x14d: {  	[tilespmem:s21+$0xFFFFFF70] =	vst v7;
	v3 =	vld.idx.msk [tilespmem:v12+s5+$0x0], $0xffff  }
0x14e: {  	[tilespmem:s21+$0xFFFFFF00] =	vst v14;
	v4 =	vld.idx.msk [tilespmem:v13+s5+$0x0], $0xffff  }
0x14f: {  	s23 =	sadd.s32 $0x100, s23;
	[tilespmem:s21+$0x0] =	vst v8;
	v5 =	vld.idx.msk [tilespmem:v6+s5+$0x0], $0xffff  }
0x150: {  	[tilespmem:s21+$0x10] =	vst v0  }
0x151: {  	[tilespmem:s21+$0x20] =	vst v1  }
0x152: {  	[tilespmem:s21+$0x30] =	vst v2  }
0x153: {  	[tilespmem:s21+$0x40] =	vst v3  }
0x154: {  	s20 =	sadd.s32 s20, s9;
	s22 =	simm.s32 $0x1C780;
	[tilespmem:s21+$0x50] =	vst v4  }
0x155: {  	s23 =	simm.s32 $0x1C880;
	s24 =	sadd.s32 $0x0, s20;
	[tilespmem:s21+$0x60] =	vst v5;
	s21 =	simm.s32 $0x80  }
.LBB2_17:
0x156: {  	[hbm4b:s24+s5] =	stream.linear.scatter [tilespmem:s22], [sflag:$0x3], $0x80, $0x38;
	[tilespmem:$0x1E700] =	vst v63  }
0x157: {  	s24 =	smov.u32 s21;
	s22 =	smov.u32 s23;
	p0 =	sne.s32 s21, $0xF80  }
.Ltmp7:
0x158: {  	s21 =	sadd.s32 $0x80, s21;
	(pc) =	sbr.rel @p0 .LBB2_17-.Ltmp7, $2  }
0x159: {  	_ =	sdelay $0x2  }
0x15a: {  	s23 =	sadd.s32 $0x100, s23;
	s24 =	sadd.s32 s24, s20  }
0x15b: {  	s19 =	sadd.s32 $0x1, s19  }
0x15c: {  	p0 =	sne.s32 s19, $0xD  }
.Ltmp8:
0x15d: {  	_ = 	snop;
	(pc) =	sbr.rel @p0 .LBB2_2-.Ltmp8, $2  }
0x15e: {  	_ =	sdelay $0x2  }
0x15f: {  	[hbm4b:s24+s5] =	stream.linear.scatter [tilespmem:s22], [sflag:$0x3], $0x80, $0x38;
	[tilespmem:$0x1E700] =	vst v63  }
0x160: {  	s18 =	sadd.s32 $0x1, s18  }
0x161: {  	_ =	swait.ge [sflag:s16], $0x1000;
	p0 =	sne.s32 s18, s10  }
.Ltmp9:
0x162: {  	[sflag:s16] =	ssyncset.done $0x0;
	(pc) =	sbr.rel @p0 .LBB2_1-.Ltmp9, $4  }
0x163: {  	[sflag:s16] =	ssyncadd.s32 $0xFFFFF000  }
0x164: {  	_ =	swait.ge [sflag:s17], $0x1000  }
0x165: {  	[sflag:s17] =	ssyncset.done $0x0  }
0x166: {  	[sflag:s17] =	ssyncadd.s32 $0xFFFFF000  }
0x167: {  	_ =	sfence.sel $0x180000  }
0x168: {  	[bflag:$0x0] =	sbarrier.arrive $0xFFFF  }
0x169: {  	p0 =	sne.s32 s2, $0x0;
	_ =	strace $0x90000047  }
0x16a: {  	s0 =	sadd.s32 @!p0 $0x100000, s0;
	[bflag:$0x2] =	sbarrier.arrive $0xFFFF  }
0x16b: {  	[sflag:s0] =	ssyncadd.tile.s32 @!p0 $0x1;
	_ =	shalt  }
.Lfunc_end2:
_tile_overlayer_lowered:
.L_overlay_start_2:
0x16c: {  	(tag) =	ssettag $0x2  }
0x16d: {  	s0 =	rddreg [dreg:$0x0];
	s2 =	stileid.u32  }
0x16e: {  	s1 =	rddreg [dreg:$0x1];
	p0 =	sne.s32 s2, $0x0  }
0x16f: {  	s3 =	rddreg [dreg:$0x2];
	[bflag:$0x3] =	sbarrier.arrive $0xFFFF;
	s2 =	simm.s32 @!p0 $0x1C04  }
0x170: {  	[timem:s3], [sflag:s2] =	dma.local @!p0 [hbm:s0], s1  }
0x171: {  	s0 =	simm.s32 @!p0 $0x4  }
0x172: {  	_ =	swait.ge @!p0 [sflag:s0], s1  }
0x173: {  	s1 =	ssub.s32 @!p0 $0x0, s1;
	[sflag:s0] =	ssyncset.done @!p0 $0x0  }
0x174: {  	[sflag:s0] =	ssyncadd.s32 @!p0 s1  }
0x175: {  	[bflag:$0x3] =	sbarrier.arrive $0xFFFF  }
0x176: {  	_ =	shalt  }

</sc_bundles>
